<compile_context>
chip_gen: v7x
topology: tpu7x:2x2x1
jax: 0.10.2.dev20260603
libtpu: 0.0.44.dev20260713+nightly
codegen_flags: <defaults>
</compile_context>

<pallas_src>
import functools

import jax
import jax.numpy as jnp
from jax import lax
from jax.experimental import pallas as pl
from jax.experimental.pallas import tpu as pltpu
from jax.experimental.pallas import tpu_sc as plsc

_BATCH = 16384
_FIELDS = 26
_TOTAL = _BATCH * _FIELDS
_EMB = 16
_OUT = 64
_NUM_EMB = 1000000

_NW = 32
_B_PER_W = _TOTAL // _NW
_B_PER_T = _TOTAL // 16


def _make_mega():
    mesh = plsc.VectorSubcoreMesh(core_axis_name="c", subcore_axis_name="s")

    @functools.partial(
        pl.kernel,
        mesh=mesh,
        compiler_params=pltpu.CompilerParams(
            use_tc_tiling_on_sc=True, needs_layout_passes=False
        ),
        out_type=jax.ShapeDtypeStruct((_EMB, _TOTAL), jnp.float32),
        scratch_types=[
            pltpu.VMEM((_B_PER_T,), jnp.int32),
            pltpu.VMEM((_B_PER_T,), jnp.float32),
            pltpu.VMEM_SHARED((_NUM_EMB,), jnp.float32),
            pltpu.SemaphoreType.DMA,
        ],
    )
    def mega_k(idx_hbm, tT_hbm, emb_hbm, idx_v, buf_v, plane, sem):
        sid = lax.axis_index("s")
        core = lax.axis_index("c")
        e0 = core * (_EMB // 2)
        base = sid * _B_PER_T

        @pl.when(sid == 0)
        def _stage0():
            pltpu.async_copy(tT_hbm.at[e0], plane, sem)

        pltpu.sync_copy(idx_hbm.at[pl.ds(base, _B_PER_T)], idx_v)

        @pl.when(sid == 0)
        def _wait0():
            pltpu.make_async_copy(tT_hbm.at[e0], plane, sem).wait()

        plsc.subcore_barrier()
        for e_local in range(_EMB // 2):
            e = e0 + e_local
            pltpu.sync_copy(plane.at[idx_v], buf_v)
            pltpu.sync_copy(buf_v, emb_hbm.at[e, pl.ds(base, _B_PER_T)])
            plsc.subcore_barrier()
            if e_local + 1 < _EMB // 2:

                @pl.when(sid == 0)
                def _stage_next():
                    pltpu.sync_copy(tT_hbm.at[e + 1], plane)

                plsc.subcore_barrier()

    return mega_k


_mega = _make_mega()


def _mm_body(wt_ref, b_ref, emb_ref, out_ref):
    res = jax.lax.dot_general(
        wt_ref[...],
        emb_ref[...],
        dimension_numbers=(((0,), (0,)), ((), ())),
        preferred_element_type=jnp.float32,
    )
    out_ref[0, :, :] = res + b_ref[...].reshape(_OUT, 1)


def _project(wt, b, emb):
    return pl.pallas_call(
        _mm_body,
        grid=(_FIELDS,),
        in_specs=[
            pl.BlockSpec((_EMB, _OUT), lambda f: (0, 0)),
            pl.BlockSpec((_OUT,), lambda f: (0,)),
            pl.BlockSpec((_EMB, _BATCH), lambda f: (0, f)),
        ],
        out_specs=pl.BlockSpec((1, _OUT, _BATCH), lambda f: (f, 0, 0)),
        out_shape=jax.ShapeDtypeStruct((_FIELDS, _OUT, _BATCH), jnp.float32),
    )(wt, b, emb)


def kernel(x, table, W, b):
    idx = x.T.reshape(_TOTAL).astype(jnp.int32)
    emb = _mega(idx, table.T)
    outp = _project(W.T, b, emb)
    return jnp.transpose(outp, (2, 0, 1))

# --- scband reference (transcript-rebuilt; emitter-appended) ---
"""Pipeline reference for scband-compressed-emb-38946763440807 (READ-ONLY COPY).

The authoritative reference and input builder live on the scoring server;
editing this copy changes nothing except your own understanding.
"""

import jax, jax.numpy as jnp
import numpy as np

NUM_EMBEDDINGS = 1000000
EMBED_DIM = 16
OUTPUT_DIM = 64
BATCH = 16384
FIELDS = 26


def setup_inputs(seed: int = 0) -> dict:
    key = jax.random.key(seed)
    k1, k2, k3, k4 = jax.random.split(key, 4)
    x = jax.random.randint(k1, (BATCH, FIELDS), 0, NUM_EMBEDDINGS)
    # nn.Embedding default init: N(0, 1)
    table = jax.random.normal(k2, (NUM_EMBEDDINGS, EMBED_DIM), dtype=jnp.float32)
    # nn.Linear: weight [out_features, in_features], kaiming-uniform-ish init
    bound = 1.0 / np.sqrt(EMBED_DIM)
    W = jax.random.uniform(k3, (OUTPUT_DIM, EMBED_DIM), dtype=jnp.float32, minval=-bound, maxval=bound)
    b = jax.random.uniform(k4, (OUTPUT_DIM,), dtype=jnp.float32, minval=-bound, maxval=bound)
    return {"x": x, "table": table, "W": W, "b": b}


def reference(x, table, W, b):
    # embedding lookup (gather)
    emb = jnp.take(table, x, axis=0)  # [B, F, embed_dim]
    # linear projection: y = emb @ W^T + b
    out = jnp.einsum('bfe,oe->bfo', emb, W) + b
    return out

if __name__ == "__main__":
    import jax
    _d = setup_inputs()
    print(jax.jit(kernel)(*tuple(_d.values())))

</pallas_src>

<mosaic_0001>
#map = affine_map<(d0, d1) -> (0)>
#map1 = affine_map<(d0, d1) -> (0, 0)>
module attributes {stable_mosaic.version = 14 : i64} {
  func.func @mega_k(%arg0: i32, %arg1: i32, %arg2: memref<425984xi32, #tpu.memory_space<hbm>>, %arg3: memref<16x1000000xf32, #tpu.memory_space<hbm>>, %arg4: memref<16x425984xf32, #tpu.memory_space<hbm>>, %arg5: memref<26624xi32, #tpu.memory_space<vmem>>, %arg6: memref<26624xf32, #tpu.memory_space<vmem>>, %arg7: memref<1000000xf32, #tpu.memory_space<vmem_shared>>, %arg8: memref<!tpu.dma_semaphore, #tpu.memory_space<semaphore_mem>>) attributes {dimension_semantics = [#tpu.dimension_semantics<core_parallel>, #tpu.dimension_semantics<subcore_parallel>], iteration_bounds = array<i64: 2, 16>, scalar_prefetch = 0 : i64, scratch_operands = 4 : i64, tpu.core_type = #tpu.core_type<sc_vector_subcore>, window_params = [{transform_indices = #map}, {transform_indices = #map1}, {transform_indices = #map1}]} {
    %mul3A = arith.constant 8 : i32
    %mul3A_0 = arith.muli %arg0, %mul3A : i32
    %mul3A_1 = arith.constant 26624 : i32
    %mul3A_2 = arith.muli %arg1, %mul3A_1 : i32
    %eq3A = arith.constant 0 : i32
    %eq3A_3 = arith.cmpi eq, %arg1, %eq3A : i32
    %convert_element_type3A = arith.extui %eq3A_3 : i1 to i32
    %cond3A = arith.constant 0 : i32
    %cond3A_4 = arith.cmpi ne, %convert_element_type3A, %cond3A : i32
    scf.if %cond3A_4 {
      %dma_start3A = arith.constant 0 : i32
      %dma_start3A_75 = tpu.memref_slice %arg3[%mul3A_0, %dma_start3A] : memref<16x1000000xf32, #tpu.memory_space<hbm>> -> memref<1x1000000xf32, #tpu.memory_space<hbm>>
      %dma_start3A_76 = tpu.memref_squeeze %dma_start3A_75 : memref<1x1000000xf32, #tpu.memory_space<hbm>> -> memref<1000000xf32, #tpu.memory_space<hbm>>
      tpu.enqueue_dma source(%dma_start3A_76 : memref<1000000xf32, #tpu.memory_space<hbm>>) target(%arg7 : memref<1000000xf32, #tpu.memory_space<vmem_shared>>) target_semaphore(%arg8 : memref<!tpu.dma_semaphore, #tpu.memory_space<semaphore_mem>>)
    } else {
    }
    "tpu.region"() ({
      %run_scoped3A = tpu.sem_alloc : memref<!tpu.dma_semaphore, #tpu.memory_space<semaphore_mem>>
      %dma_start3A = tpu.memref_slice %arg2[%mul3A_2] : memref<425984xi32, #tpu.memory_space<hbm>> -> memref<26624xi32, #tpu.memory_space<hbm>>
      %dma_start3A_75 = tpu.memref_slice %arg2[%mul3A_2] : memref<425984xi32, #tpu.memory_space<hbm>> -> memref<26624xi32, #tpu.memory_space<hbm>>
      tpu.enqueue_dma source(%dma_start3A_75 : memref<26624xi32, #tpu.memory_space<hbm>>) target(%arg5 : memref<26624xi32, #tpu.memory_space<vmem>>) target_semaphore(%run_scoped3A : memref<!tpu.dma_semaphore, #tpu.memory_space<semaphore_mem>>)
      %dma_wait3A = tpu.memref_slice %arg2[%mul3A_2] : memref<425984xi32, #tpu.memory_space<hbm>> -> memref<26624xi32, #tpu.memory_space<hbm>>
      %dma_wait3A_76 = tpu.memref_slice %arg2[%mul3A_2] : memref<425984xi32, #tpu.memory_space<hbm>> -> memref<26624xi32, #tpu.memory_space<hbm>>
      tpu.wait_dma2 semaphore(%run_scoped3A : memref<!tpu.dma_semaphore, #tpu.memory_space<semaphore_mem>>) src(%dma_wait3A_76 : memref<26624xi32, #tpu.memory_space<hbm>>) dst(%arg5 : memref<26624xi32, #tpu.memory_space<vmem>>)
      tpu.yield
    }) : () -> ()
    %eq3A_5 = arith.constant 0 : i32
    %eq3A_6 = arith.cmpi eq, %arg1, %eq3A_5 : i32
    %convert_element_type3A_7 = arith.extui %eq3A_6 : i1 to i32
    %cond3A_8 = arith.constant 0 : i32
    %cond3A_9 = arith.cmpi ne, %convert_element_type3A_7, %cond3A_8 : i32
    scf.if %cond3A_9 {
      %dma_wait3A = arith.constant 0 : i32
      %dma_wait3A_75 = tpu.memref_slice %arg3[%mul3A_0, %dma_wait3A] : memref<16x1000000xf32, #tpu.memory_space<hbm>> -> memref<1x1000000xf32, #tpu.memory_space<hbm>>
      %dma_wait3A_76 = tpu.memref_squeeze %dma_wait3A_75 : memref<1x1000000xf32, #tpu.memory_space<hbm>> -> memref<1000000xf32, #tpu.memory_space<hbm>>
      tpu.wait_dma2 semaphore(%arg8 : memref<!tpu.dma_semaphore, #tpu.memory_space<semaphore_mem>>) src(%dma_wait3A_76 : memref<1000000xf32, #tpu.memory_space<hbm>>) dst(%arg7 : memref<1000000xf32, #tpu.memory_space<vmem_shared>>)
    } else {
    }
    %barrier3A = arith.constant 0 : index
    tpu.barrier barrier_id(%barrier3A)
    %add3A = arith.constant 0 : i32
    %add3A_10 = arith.addi %mul3A_0, %add3A : i32
    "tpu.region"() ({
      %run_scoped3A = tpu.sem_alloc : memref<!tpu.dma_semaphore, #tpu.memory_space<semaphore_mem>>
      %dma_start3A = arith.constant 0 : i32
      %dma_start3A_75 = tpu.memref_slice %arg7[%dma_start3A] : memref<1000000xf32, #tpu.memory_space<vmem_shared>> -> memref<1000000xf32, #tpu.memory_space<vmem_shared>>
      tpu.enqueue_indirect_dma source(%dma_start3A_75 : memref<1000000xf32, #tpu.memory_space<vmem_shared>>) target(%arg6 : memref<26624xf32, #tpu.memory_space<vmem>>) offsets(%arg5 : memref<26624xi32, #tpu.memory_space<vmem>>) semaphore(%run_scoped3A : memref<!tpu.dma_semaphore, #tpu.memory_space<semaphore_mem>>)
      %dma_wait3A = arith.constant 0 : i32
      %dma_wait3A_76 = tpu.memref_slice %arg7[%dma_wait3A] : memref<1000000xf32, #tpu.memory_space<vmem_shared>> -> memref<1000000xf32, #tpu.memory_space<vmem_shared>>
      tpu.wait_indirect_dma semaphore(%run_scoped3A : memref<!tpu.dma_semaphore, #tpu.memory_space<semaphore_mem>>) src(%dma_wait3A_76 : memref<1000000xf32, #tpu.memory_space<vmem_shared>>) dst(%arg6 : memref<26624xf32, #tpu.memory_space<vmem>>)
      tpu.yield
    }) : () -> ()
    "tpu.region"() ({
      %run_scoped3A = tpu.sem_alloc : memref<!tpu.dma_semaphore, #tpu.memory_space<semaphore_mem>>
      %dma_start3A = tpu.memref_slice %arg4[%add3A_10, %mul3A_2] : memref<16x425984xf32, #tpu.memory_space<hbm>> -> memref<1x26624xf32, #tpu.memory_space<hbm>>
      %dma_start3A_75 = tpu.memref_squeeze %dma_start3A : memref<1x26624xf32, #tpu.memory_space<hbm>> -> memref<26624xf32, #tpu.memory_space<hbm>>
      %dma_start3A_76 = tpu.memref_slice %arg4[%add3A_10, %mul3A_2] : memref<16x425984xf32, #tpu.memory_space<hbm>> -> memref<1x26624xf32, #tpu.memory_space<hbm>>
      %dma_start3A_77 = tpu.memref_squeeze %dma_start3A_76 : memref<1x26624xf32, #tpu.memory_space<hbm>> -> memref<26624xf32, #tpu.memory_space<hbm>>
      tpu.enqueue_dma source(%arg6 : memref<26624xf32, #tpu.memory_space<vmem>>) target(%dma_start3A_77 : memref<26624xf32, #tpu.memory_space<hbm>>) target_semaphore(%run_scoped3A : memref<!tpu.dma_semaphore, #tpu.memory_space<semaphore_mem>>)
      %dma_wait3A = tpu.memref_slice %arg4[%add3A_10, %mul3A_2] : memref<16x425984xf32, #tpu.memory_space<hbm>> -> memref<1x26624xf32, #tpu.memory_space<hbm>>
      %dma_wait3A_78 = tpu.memref_squeeze %dma_wait3A : memref<1x26624xf32, #tpu.memory_space<hbm>> -> memref<26624xf32, #tpu.memory_space<hbm>>
      %dma_wait3A_79 = tpu.memref_slice %arg4[%add3A_10, %mul3A_2] : memref<16x425984xf32, #tpu.memory_space<hbm>> -> memref<1x26624xf32, #tpu.memory_space<hbm>>
      %dma_wait3A_80 = tpu.memref_squeeze %dma_wait3A_79 : memref<1x26624xf32, #tpu.memory_space<hbm>> -> memref<26624xf32, #tpu.memory_space<hbm>>
      tpu.wait_dma2 semaphore(%run_scoped3A : memref<!tpu.dma_semaphore, #tpu.memory_space<semaphore_mem>>) src(%arg6 : memref<26624xf32, #tpu.memory_space<vmem>>) dst(%dma_wait3A_80 : memref<26624xf32, #tpu.memory_space<hbm>>)
      tpu.yield
    }) : () -> ()
    %barrier3A_11 = arith.constant 0 : index
    tpu.barrier barrier_id(%barrier3A_11)
    %eq3A_12 = arith.constant 0 : i32
    %eq3A_13 = arith.cmpi eq, %arg1, %eq3A_12 : i32
    %convert_element_type3A_14 = arith.extui %eq3A_13 : i1 to i32
    %cond3A_15 = arith.constant 0 : i32
    %cond3A_16 = arith.cmpi ne, %convert_element_type3A_14, %cond3A_15 : i32
    scf.if %cond3A_16 {
      %add3A_75 = arith.constant 1 : i32
      %add3A_76 = arith.addi %add3A_10, %add3A_75 : i32
      "tpu.region"() ({
        %run_scoped3A = tpu.sem_alloc : memref<!tpu.dma_semaphore, #tpu.memory_space<semaphore_mem>>
        %dma_start3A = arith.constant 0 : i32
        %dma_start3A_77 = tpu.memref_slice %arg3[%add3A_76, %dma_start3A] : memref<16x1000000xf32, #tpu.memory_space<hbm>> -> memref<1x1000000xf32, #tpu.memory_space<hbm>>
        %dma_start3A_78 = tpu.memref_squeeze %dma_start3A_77 : memref<1x1000000xf32, #tpu.memory_space<hbm>> -> memref<1000000xf32, #tpu.memory_space<hbm>>
        tpu.enqueue_dma source(%dma_start3A_78 : memref<1000000xf32, #tpu.memory_space<hbm>>) target(%arg7 : memref<1000000xf32, #tpu.memory_space<vmem_shared>>) target_semaphore(%run_scoped3A : memref<!tpu.dma_semaphore, #tpu.memory_space<semaphore_mem>>)
        %dma_wait3A = arith.constant 0 : i32
        %dma_wait3A_79 = tpu.memref_slice %arg3[%add3A_76, %dma_wait3A] : memref<16x1000000xf32, #tpu.memory_space<hbm>> -> memref<1x1000000xf32, #tpu.memory_space<hbm>>
        %dma_wait3A_80 = tpu.memref_squeeze %dma_wait3A_79 : memref<1x1000000xf32, #tpu.memory_space<hbm>> -> memref<1000000xf32, #tpu.memory_space<hbm>>
        tpu.wait_dma2 semaphore(%run_scoped3A : memref<!tpu.dma_semaphore, #tpu.memory_space<semaphore_mem>>) src(%dma_wait3A_80 : memref<1000000xf32, #tpu.memory_space<hbm>>) dst(%arg7 : memref<1000000xf32, #tpu.memory_space<vmem_shared>>)
        tpu.yield
      }) : () -> ()
    } else {
    }
    %barrier3A_17 = arith.constant 0 : index
    tpu.barrier barrier_id(%barrier3A_17)
    %add3A_18 = arith.constant 1 : i32
    %add3A_19 = arith.addi %mul3A_0, %add3A_18 : i32
    "tpu.region"() ({
      %run_scoped3A = tpu.sem_alloc : memref<!tpu.dma_semaphore, #tpu.memory_space<semaphore_mem>>
      %dma_start3A = arith.constant 0 : i32
      %dma_start3A_75 = tpu.memref_slice %arg7[%dma_start3A] : memref<1000000xf32, #tpu.memory_space<vmem_shared>> -> memref<1000000xf32, #tpu.memory_space<vmem_shared>>
      tpu.enqueue_indirect_dma source(%dma_start3A_75 : memref<1000000xf32, #tpu.memory_space<vmem_shared>>) target(%arg6 : memref<26624xf32, #tpu.memory_space<vmem>>) offsets(%arg5 : memref<26624xi32, #tpu.memory_space<vmem>>) semaphore(%run_scoped3A : memref<!tpu.dma_semaphore, #tpu.memory_space<semaphore_mem>>)
      %dma_wait3A = arith.constant 0 : i32
      %dma_wait3A_76 = tpu.memref_slice %arg7[%dma_wait3A] : memref<1000000xf32, #tpu.memory_space<vmem_shared>> -> memref<1000000xf32, #tpu.memory_space<vmem_shared>>
      tpu.wait_indirect_dma semaphore(%run_scoped3A : memref<!tpu.dma_semaphore, #tpu.memory_space<semaphore_mem>>) src(%dma_wait3A_76 : memref<1000000xf32, #tpu.memory_space<vmem_shared>>) dst(%arg6 : memref<26624xf32, #tpu.memory_space<vmem>>)
      tpu.yield
    }) : () -> ()
    "tpu.region"() ({
      %run_scoped3A = tpu.sem_alloc : memref<!tpu.dma_semaphore, #tpu.memory_space<semaphore_mem>>
      %dma_start3A = tpu.memref_slice %arg4[%add3A_19, %mul3A_2] : memref<16x425984xf32, #tpu.memory_space<hbm>> -> memref<1x26624xf32, #tpu.memory_space<hbm>>
      %dma_start3A_75 = tpu.memref_squeeze %dma_start3A : memref<1x26624xf32, #tpu.memory_space<hbm>> -> memref<26624xf32, #tpu.memory_space<hbm>>
      %dma_start3A_76 = tpu.memref_slice %arg4[%add3A_19, %mul3A_2] : memref<16x425984xf32, #tpu.memory_space<hbm>> -> memref<1x26624xf32, #tpu.memory_space<hbm>>
      %dma_start3A_77 = tpu.memref_squeeze %dma_start3A_76 : memref<1x26624xf32, #tpu.memory_space<hbm>> -> memref<26624xf32, #tpu.memory_space<hbm>>
      tpu.enqueue_dma source(%arg6 : memref<26624xf32, #tpu.memory_space<vmem>>) target(%dma_start3A_77 : memref<26624xf32, #tpu.memory_space<hbm>>) target_semaphore(%run_scoped3A : memref<!tpu.dma_semaphore, #tpu.memory_space<semaphore_mem>>)
      %dma_wait3A = tpu.memref_slice %arg4[%add3A_19, %mul3A_2] : memref<16x425984xf32, #tpu.memory_space<hbm>> -> memref<1x26624xf32, #tpu.memory_space<hbm>>
      %dma_wait3A_78 = tpu.memref_squeeze %dma_wait3A : memref<1x26624xf32, #tpu.memory_space<hbm>> -> memref<26624xf32, #tpu.memory_space<hbm>>
      %dma_wait3A_79 = tpu.memref_slice %arg4[%add3A_19, %mul3A_2] : memref<16x425984xf32, #tpu.memory_space<hbm>> -> memref<1x26624xf32, #tpu.memory_space<hbm>>
      %dma_wait3A_80 = tpu.memref_squeeze %dma_wait3A_79 : memref<1x26624xf32, #tpu.memory_space<hbm>> -> memref<26624xf32, #tpu.memory_space<hbm>>
      tpu.wait_dma2 semaphore(%run_scoped3A : memref<!tpu.dma_semaphore, #tpu.memory_space<semaphore_mem>>) src(%arg6 : memref<26624xf32, #tpu.memory_space<vmem>>) dst(%dma_wait3A_80 : memref<26624xf32, #tpu.memory_space<hbm>>)
      tpu.yield
    }) : () -> ()
    %barrier3A_20 = arith.constant 0 : index
    tpu.barrier barrier_id(%barrier3A_20)
    %eq3A_21 = arith.constant 0 : i32
    %eq3A_22 = arith.cmpi eq, %arg1, %eq3A_21 : i32
    %convert_element_type3A_23 = arith.extui %eq3A_22 : i1 to i32
    %cond3A_24 = arith.constant 0 : i32
    %cond3A_25 = arith.cmpi ne, %convert_element_type3A_23, %cond3A_24 : i32
    scf.if %cond3A_25 {
      %add3A_75 = arith.constant 1 : i32
      %add3A_76 = arith.addi %add3A_19, %add3A_75 : i32
      "tpu.region"() ({
        %run_scoped3A = tpu.sem_alloc : memref<!tpu.dma_semaphore, #tpu.memory_space<semaphore_mem>>
        %dma_start3A = arith.constant 0 : i32
        %dma_start3A_77 = tpu.memref_slice %arg3[%add3A_76, %dma_start3A] : memref<16x1000000xf32, #tpu.memory_space<hbm>> -> memref<1x1000000xf32, #tpu.memory_space<hbm>>
        %dma_start3A_78 = tpu.memref_squeeze %dma_start3A_77 : memref<1x1000000xf32, #tpu.memory_space<hbm>> -> memref<1000000xf32, #tpu.memory_space<hbm>>
        tpu.enqueue_dma source(%dma_start3A_78 : memref<1000000xf32, #tpu.memory_space<hbm>>) target(%arg7 : memref<1000000xf32, #tpu.memory_space<vmem_shared>>) target_semaphore(%run_scoped3A : memref<!tpu.dma_semaphore, #tpu.memory_space<semaphore_mem>>)
        %dma_wait3A = arith.constant 0 : i32
        %dma_wait3A_79 = tpu.memref_slice %arg3[%add3A_76, %dma_wait3A] : memref<16x1000000xf32, #tpu.memory_space<hbm>> -> memref<1x1000000xf32, #tpu.memory_space<hbm>>
        %dma_wait3A_80 = tpu.memref_squeeze %dma_wait3A_79 : memref<1x1000000xf32, #tpu.memory_space<hbm>> -> memref<1000000xf32, #tpu.memory_space<hbm>>
        tpu.wait_dma2 semaphore(%run_scoped3A : memref<!tpu.dma_semaphore, #tpu.memory_space<semaphore_mem>>) src(%dma_wait3A_80 : memref<1000000xf32, #tpu.memory_space<hbm>>) dst(%arg7 : memref<1000000xf32, #tpu.memory_space<vmem_shared>>)
        tpu.yield
      }) : () -> ()
    } else {
    }
    %barrier3A_26 = arith.constant 0 : index
    tpu.barrier barrier_id(%barrier3A_26)
    %add3A_27 = arith.constant 2 : i32
    %add3A_28 = arith.addi %mul3A_0, %add3A_27 : i32
    "tpu.region"() ({
      %run_scoped3A = tpu.sem_alloc : memref<!tpu.dma_semaphore, #tpu.memory_space<semaphore_mem>>
      %dma_start3A = arith.constant 0 : i32
      %dma_start3A_75 = tpu.memref_slice %arg7[%dma_start3A] : memref<1000000xf32, #tpu.memory_space<vmem_shared>> -> memref<1000000xf32, #tpu.memory_space<vmem_shared>>
      tpu.enqueue_indirect_dma source(%dma_start3A_75 : memref<1000000xf32, #tpu.memory_space<vmem_shared>>) target(%arg6 : memref<26624xf32, #tpu.memory_space<vmem>>) offsets(%arg5 : memref<26624xi32, #tpu.memory_space<vmem>>) semaphore(%run_scoped3A : memref<!tpu.dma_semaphore, #tpu.memory_space<semaphore_mem>>)
      %dma_wait3A = arith.constant 0 : i32
      %dma_wait3A_76 = tpu.memref_slice %arg7[%dma_wait3A] : memref<1000000xf32, #tpu.memory_space<vmem_shared>> -> memref<1000000xf32, #tpu.memory_space<vmem_shared>>
      tpu.wait_indirect_dma semaphore(%run_scoped3A : memref<!tpu.dma_semaphore, #tpu.memory_space<semaphore_mem>>) src(%dma_wait3A_76 : memref<1000000xf32, #tpu.memory_space<vmem_shared>>) dst(%arg6 : memref<26624xf32, #tpu.memory_space<vmem>>)
      tpu.yield
    }) : () -> ()
    "tpu.region"() ({
      %run_scoped3A = tpu.sem_alloc : memref<!tpu.dma_semaphore, #tpu.memory_space<semaphore_mem>>
      %dma_start3A = tpu.memref_slice %arg4[%add3A_28, %mul3A_2] : memref<16x425984xf32, #tpu.memory_space<hbm>> -> memref<1x26624xf32, #tpu.memory_space<hbm>>
      %dma_start3A_75 = tpu.memref_squeeze %dma_start3A : memref<1x26624xf32, #tpu.memory_space<hbm>> -> memref<26624xf32, #tpu.memory_space<hbm>>
      %dma_start3A_76 = tpu.memref_slice %arg4[%add3A_28, %mul3A_2] : memref<16x425984xf32, #tpu.memory_space<hbm>> -> memref<1x26624xf32, #tpu.memory_space<hbm>>
      %dma_start3A_77 = tpu.memref_squeeze %dma_start3A_76 : memref<1x26624xf32, #tpu.memory_space<hbm>> -> memref<26624xf32, #tpu.memory_space<hbm>>
      tpu.enqueue_dma source(%arg6 : memref<26624xf32, #tpu.memory_space<vmem>>) target(%dma_start3A_77 : memref<26624xf32, #tpu.memory_space<hbm>>) target_semaphore(%run_scoped3A : memref<!tpu.dma_semaphore, #tpu.memory_space<semaphore_mem>>)
      %dma_wait3A = tpu.memref_slice %arg4[%add3A_28, %mul3A_2] : memref<16x425984xf32, #tpu.memory_space<hbm>> -> memref<1x26624xf32, #tpu.memory_space<hbm>>
      %dma_wait3A_78 = tpu.memref_squeeze %dma_wait3A : memref<1x26624xf32, #tpu.memory_space<hbm>> -> memref<26624xf32, #tpu.memory_space<hbm>>
      %dma_wait3A_79 = tpu.memref_slice %arg4[%add3A_28, %mul3A_2] : memref<16x425984xf32, #tpu.memory_space<hbm>> -> memref<1x26624xf32, #tpu.memory_space<hbm>>
      %dma_wait3A_80 = tpu.memref_squeeze %dma_wait3A_79 : memref<1x26624xf32, #tpu.memory_space<hbm>> -> memref<26624xf32, #tpu.memory_space<hbm>>
      tpu.wait_dma2 semaphore(%run_scoped3A : memref<!tpu.dma_semaphore, #tpu.memory_space<semaphore_mem>>) src(%arg6 : memref<26624xf32, #tpu.memory_space<vmem>>) dst(%dma_wait3A_80 : memref<26624xf32, #tpu.memory_space<hbm>>)
      tpu.yield
    }) : () -> ()
    %barrier3A_29 = arith.constant 0 : index
    tpu.barrier barrier_id(%barrier3A_29)
    %eq3A_30 = arith.constant 0 : i32
    %eq3A_31 = arith.cmpi eq, %arg1, %eq3A_30 : i32
    %convert_element_type3A_32 = arith.extui %eq3A_31 : i1 to i32
    %cond3A_33 = arith.constant 0 : i32
    %cond3A_34 = arith.cmpi ne, %convert_element_type3A_32, %cond3A_33 : i32
    scf.if %cond3A_34 {
      %add3A_75 = arith.constant 1 : i32
      %add3A_76 = arith.addi %add3A_28, %add3A_75 : i32
      "tpu.region"() ({
        %run_scoped3A = tpu.sem_alloc : memref<!tpu.dma_semaphore, #tpu.memory_space<semaphore_mem>>
        %dma_start3A = arith.constant 0 : i32
        %dma_start3A_77 = tpu.memref_slice %arg3[%add3A_76, %dma_start3A] : memref<16x1000000xf32, #tpu.memory_space<hbm>> -> memref<1x1000000xf32, #tpu.memory_space<hbm>>
        %dma_start3A_78 = tpu.memref_squeeze %dma_start3A_77 : memref<1x1000000xf32, #tpu.memory_space<hbm>> -> memref<1000000xf32, #tpu.memory_space<hbm>>
        tpu.enqueue_dma source(%dma_start3A_78 : memref<1000000xf32, #tpu.memory_space<hbm>>) target(%arg7 : memref<1000000xf32, #tpu.memory_space<vmem_shared>>) target_semaphore(%run_scoped3A : memref<!tpu.dma_semaphore, #tpu.memory_space<semaphore_mem>>)
        %dma_wait3A = arith.constant 0 : i32
        %dma_wait3A_79 = tpu.memref_slice %arg3[%add3A_76, %dma_wait3A] : memref<16x1000000xf32, #tpu.memory_space<hbm>> -> memref<1x1000000xf32, #tpu.memory_space<hbm>>
        %dma_wait3A_80 = tpu.memref_squeeze %dma_wait3A_79 : memref<1x1000000xf32, #tpu.memory_space<hbm>> -> memref<1000000xf32, #tpu.memory_space<hbm>>
        tpu.wait_dma2 semaphore(%run_scoped3A : memref<!tpu.dma_semaphore, #tpu.memory_space<semaphore_mem>>) src(%dma_wait3A_80 : memref<1000000xf32, #tpu.memory_space<hbm>>) dst(%arg7 : memref<1000000xf32, #tpu.memory_space<vmem_shared>>)
        tpu.yield
      }) : () -> ()
    } else {
    }
    %barrier3A_35 = arith.constant 0 : index
    tpu.barrier barrier_id(%barrier3A_35)
    %add3A_36 = arith.constant 3 : i32
    %add3A_37 = arith.addi %mul3A_0, %add3A_36 : i32
    "tpu.region"() ({
      %run_scoped3A = tpu.sem_alloc : memref<!tpu.dma_semaphore, #tpu.memory_space<semaphore_mem>>
      %dma_start3A = arith.constant 0 : i32
      %dma_start3A_75 = tpu.memref_slice %arg7[%dma_start3A] : memref<1000000xf32, #tpu.memory_space<vmem_shared>> -> memref<1000000xf32, #tpu.memory_space<vmem_shared>>
      tpu.enqueue_indirect_dma source(%dma_start3A_75 : memref<1000000xf32, #tpu.memory_space<vmem_shared>>) target(%arg6 : memref<26624xf32, #tpu.memory_space<vmem>>) offsets(%arg5 : memref<26624xi32, #tpu.memory_space<vmem>>) semaphore(%run_scoped3A : memref<!tpu.dma_semaphore, #tpu.memory_space<semaphore_mem>>)
      %dma_wait3A = arith.constant 0 : i32
      %dma_wait3A_76 = tpu.memref_slice %arg7[%dma_wait3A] : memref<1000000xf32, #tpu.memory_space<vmem_shared>> -> memref<1000000xf32, #tpu.memory_space<vmem_shared>>
      tpu.wait_indirect_dma semaphore(%run_scoped3A : memref<!tpu.dma_semaphore, #tpu.memory_space<semaphore_mem>>) src(%dma_wait3A_76 : memref<1000000xf32, #tpu.memory_space<vmem_shared>>) dst(%arg6 : memref<26624xf32, #tpu.memory_space<vmem>>)
      tpu.yield
    }) : () -> ()
    "tpu.region"() ({
      %run_scoped3A = tpu.sem_alloc : memref<!tpu.dma_semaphore, #tpu.memory_space<semaphore_mem>>
      %dma_start3A = tpu.memref_slice %arg4[%add3A_37, %mul3A_2] : memref<16x425984xf32, #tpu.memory_space<hbm>> -> memref<1x26624xf32, #tpu.memory_space<hbm>>
      %dma_start3A_75 = tpu.memref_squeeze %dma_start3A : memref<1x26624xf32, #tpu.memory_space<hbm>> -> memref<26624xf32, #tpu.memory_space<hbm>>
      %dma_start3A_76 = tpu.memref_slice %arg4[%add3A_37, %mul3A_2] : memref<16x425984xf32, #tpu.memory_space<hbm>> -> memref<1x26624xf32, #tpu.memory_space<hbm>>
      %dma_start3A_77 = tpu.memref_squeeze %dma_start3A_76 : memref<1x26624xf32, #tpu.memory_space<hbm>> -> memref<26624xf32, #tpu.memory_space<hbm>>
      tpu.enqueue_dma source(%arg6 : memref<26624xf32, #tpu.memory_space<vmem>>) target(%dma_start3A_77 : memref<26624xf32, #tpu.memory_space<hbm>>) target_semaphore(%run_scoped3A : memref<!tpu.dma_semaphore, #tpu.memory_space<semaphore_mem>>)
      %dma_wait3A = tpu.memref_slice %arg4[%add3A_37, %mul3A_2] : memref<16x425984xf32, #tpu.memory_space<hbm>> -> memref<1x26624xf32, #tpu.memory_space<hbm>>
      %dma_wait3A_78 = tpu.memref_squeeze %dma_wait3A : memref<1x26624xf32, #tpu.memory_space<hbm>> -> memref<26624xf32, #tpu.memory_space<hbm>>
      %dma_wait3A_79 = tpu.memref_slice %arg4[%add3A_37, %mul3A_2] : memref<16x425984xf32, #tpu.memory_space<hbm>> -> memref<1x26624xf32, #tpu.memory_space<hbm>>
      %dma_wait3A_80 = tpu.memref_squeeze %dma_wait3A_79 : memref<1x26624xf32, #tpu.memory_space<hbm>> -> memref<26624xf32, #tpu.memory_space<hbm>>
      tpu.wait_dma2 semaphore(%run_scoped3A : memref<!tpu.dma_semaphore, #tpu.memory_space<semaphore_mem>>) src(%arg6 : memref<26624xf32, #tpu.memory_space<vmem>>) dst(%dma_wait3A_80 : memref<26624xf32, #tpu.memory_space<hbm>>)
      tpu.yield
    }) : () -> ()
    %barrier3A_38 = arith.constant 0 : index
    tpu.barrier barrier_id(%barrier3A_38)
    %eq3A_39 = arith.constant 0 : i32
    %eq3A_40 = arith.cmpi eq, %arg1, %eq3A_39 : i32
    %convert_element_type3A_41 = arith.extui %eq3A_40 : i1 to i32
    %cond3A_42 = arith.constant 0 : i32
    %cond3A_43 = arith.cmpi ne, %convert_element_type3A_41, %cond3A_42 : i32
    scf.if %cond3A_43 {
      %add3A_75 = arith.constant 1 : i32
      %add3A_76 = arith.addi %add3A_37, %add3A_75 : i32
      "tpu.region"() ({
        %run_scoped3A = tpu.sem_alloc : memref<!tpu.dma_semaphore, #tpu.memory_space<semaphore_mem>>
        %dma_start3A = arith.constant 0 : i32
        %dma_start3A_77 = tpu.memref_slice %arg3[%add3A_76, %dma_start3A] : memref<16x1000000xf32, #tpu.memory_space<hbm>> -> memref<1x1000000xf32, #tpu.memory_space<hbm>>
        %dma_start3A_78 = tpu.memref_squeeze %dma_start3A_77 : memref<1x1000000xf32, #tpu.memory_space<hbm>> -> memref<1000000xf32, #tpu.memory_space<hbm>>
        tpu.enqueue_dma source(%dma_start3A_78 : memref<1000000xf32, #tpu.memory_space<hbm>>) target(%arg7 : memref<1000000xf32, #tpu.memory_space<vmem_shared>>) target_semaphore(%run_scoped3A : memref<!tpu.dma_semaphore, #tpu.memory_space<semaphore_mem>>)
        %dma_wait3A = arith.constant 0 : i32
        %dma_wait3A_79 = tpu.memref_slice %arg3[%add3A_76, %dma_wait3A] : memref<16x1000000xf32, #tpu.memory_space<hbm>> -> memref<1x1000000xf32, #tpu.memory_space<hbm>>
        %dma_wait3A_80 = tpu.memref_squeeze %dma_wait3A_79 : memref<1x1000000xf32, #tpu.memory_space<hbm>> -> memref<1000000xf32, #tpu.memory_space<hbm>>
        tpu.wait_dma2 semaphore(%run_scoped3A : memref<!tpu.dma_semaphore, #tpu.memory_space<semaphore_mem>>) src(%dma_wait3A_80 : memref<1000000xf32, #tpu.memory_space<hbm>>) dst(%arg7 : memref<1000000xf32, #tpu.memory_space<vmem_shared>>)
        tpu.yield
      }) : () -> ()
    } else {
    }
    %barrier3A_44 = arith.constant 0 : index
    tpu.barrier barrier_id(%barrier3A_44)
    %add3A_45 = arith.constant 4 : i32
    %add3A_46 = arith.addi %mul3A_0, %add3A_45 : i32
    "tpu.region"() ({
      %run_scoped3A = tpu.sem_alloc : memref<!tpu.dma_semaphore, #tpu.memory_space<semaphore_mem>>
      %dma_start3A = arith.constant 0 : i32
      %dma_start3A_75 = tpu.memref_slice %arg7[%dma_start3A] : memref<1000000xf32, #tpu.memory_space<vmem_shared>> -> memref<1000000xf32, #tpu.memory_space<vmem_shared>>
      tpu.enqueue_indirect_dma source(%dma_start3A_75 : memref<1000000xf32, #tpu.memory_space<vmem_shared>>) target(%arg6 : memref<26624xf32, #tpu.memory_space<vmem>>) offsets(%arg5 : memref<26624xi32, #tpu.memory_space<vmem>>) semaphore(%run_scoped3A : memref<!tpu.dma_semaphore, #tpu.memory_space<semaphore_mem>>)
      %dma_wait3A = arith.constant 0 : i32
      %dma_wait3A_76 = tpu.memref_slice %arg7[%dma_wait3A] : memref<1000000xf32, #tpu.memory_space<vmem_shared>> -> memref<1000000xf32, #tpu.memory_space<vmem_shared>>
      tpu.wait_indirect_dma semaphore(%run_scoped3A : memref<!tpu.dma_semaphore, #tpu.memory_space<semaphore_mem>>) src(%dma_wait3A_76 : memref<1000000xf32, #tpu.memory_space<vmem_shared>>) dst(%arg6 : memref<26624xf32, #tpu.memory_space<vmem>>)
      tpu.yield
    }) : () -> ()
    "tpu.region"() ({
      %run_scoped3A = tpu.sem_alloc : memref<!tpu.dma_semaphore, #tpu.memory_space<semaphore_mem>>
      %dma_start3A = tpu.memref_slice %arg4[%add3A_46, %mul3A_2] : memref<16x425984xf32, #tpu.memory_space<hbm>> -> memref<1x26624xf32, #tpu.memory_space<hbm>>
      %dma_start3A_75 = tpu.memref_squeeze %dma_start3A : memref<1x26624xf32, #tpu.memory_space<hbm>> -> memref<26624xf32, #tpu.memory_space<hbm>>
      %dma_start3A_76 = tpu.memref_slice %arg4[%add3A_46, %mul3A_2] : memref<16x425984xf32, #tpu.memory_space<hbm>> -> memref<1x26624xf32, #tpu.memory_space<hbm>>
      %dma_start3A_77 = tpu.memref_squeeze %dma_start3A_76 : memref<1x26624xf32, #tpu.memory_space<hbm>> -> memref<26624xf32, #tpu.memory_space<hbm>>
      tpu.enqueue_dma source(%arg6 : memref<26624xf32, #tpu.memory_space<vmem>>) target(%dma_start3A_77 : memref<26624xf32, #tpu.memory_space<hbm>>) target_semaphore(%run_scoped3A : memref<!tpu.dma_semaphore, #tpu.memory_space<semaphore_mem>>)
      %dma_wait3A = tpu.memref_slice %arg4[%add3A_46, %mul3A_2] : memref<16x425984xf32, #tpu.memory_space<hbm>> -> memref<1x26624xf32, #tpu.memory_space<hbm>>
      %dma_wait3A_78 = tpu.memref_squeeze %dma_wait3A : memref<1x26624xf32, #tpu.memory_space<hbm>> -> memref<26624xf32, #tpu.memory_space<hbm>>
      %dma_wait3A_79 = tpu.memref_slice %arg4[%add3A_46, %mul3A_2] : memref<16x425984xf32, #tpu.memory_space<hbm>> -> memref<1x26624xf32, #tpu.memory_space<hbm>>
      %dma_wait3A_80 = tpu.memref_squeeze %dma_wait3A_79 : memref<1x26624xf32, #tpu.memory_space<hbm>> -> memref<26624xf32, #tpu.memory_space<hbm>>
      tpu.wait_dma2 semaphore(%run_scoped3A : memref<!tpu.dma_semaphore, #tpu.memory_space<semaphore_mem>>) src(%arg6 : memref<26624xf32, #tpu.memory_space<vmem>>) dst(%dma_wait3A_80 : memref<26624xf32, #tpu.memory_space<hbm>>)
      tpu.yield
    }) : () -> ()
    %barrier3A_47 = arith.constant 0 : index
    tpu.barrier barrier_id(%barrier3A_47)
    %eq3A_48 = arith.constant 0 : i32
    %eq3A_49 = arith.cmpi eq, %arg1, %eq3A_48 : i32
    %convert_element_type3A_50 = arith.extui %eq3A_49 : i1 to i32
    %cond3A_51 = arith.constant 0 : i32
    %cond3A_52 = arith.cmpi ne, %convert_element_type3A_50, %cond3A_51 : i32
    scf.if %cond3A_52 {
      %add3A_75 = arith.constant 1 : i32
      %add3A_76 = arith.addi %add3A_46, %add3A_75 : i32
      "tpu.region"() ({
        %run_scoped3A = tpu.sem_alloc : memref<!tpu.dma_semaphore, #tpu.memory_space<semaphore_mem>>
        %dma_start3A = arith.constant 0 : i32
        %dma_start3A_77 = tpu.memref_slice %arg3[%add3A_76, %dma_start3A] : memref<16x1000000xf32, #tpu.memory_space<hbm>> -> memref<1x1000000xf32, #tpu.memory_space<hbm>>
        %dma_start3A_78 = tpu.memref_squeeze %dma_start3A_77 : memref<1x1000000xf32, #tpu.memory_space<hbm>> -> memref<1000000xf32, #tpu.memory_space<hbm>>
        tpu.enqueue_dma source(%dma_start3A_78 : memref<1000000xf32, #tpu.memory_space<hbm>>) target(%arg7 : memref<1000000xf32, #tpu.memory_space<vmem_shared>>) target_semaphore(%run_scoped3A : memref<!tpu.dma_semaphore, #tpu.memory_space<semaphore_mem>>)
        %dma_wait3A = arith.constant 0 : i32
        %dma_wait3A_79 = tpu.memref_slice %arg3[%add3A_76, %dma_wait3A] : memref<16x1000000xf32, #tpu.memory_space<hbm>> -> memref<1x1000000xf32, #tpu.memory_space<hbm>>
        %dma_wait3A_80 = tpu.memref_squeeze %dma_wait3A_79 : memref<1x1000000xf32, #tpu.memory_space<hbm>> -> memref<1000000xf32, #tpu.memory_space<hbm>>
        tpu.wait_dma2 semaphore(%run_scoped3A : memref<!tpu.dma_semaphore, #tpu.memory_space<semaphore_mem>>) src(%dma_wait3A_80 : memref<1000000xf32, #tpu.memory_space<hbm>>) dst(%arg7 : memref<1000000xf32, #tpu.memory_space<vmem_shared>>)
        tpu.yield
      }) : () -> ()
    } else {
    }
    %barrier3A_53 = arith.constant 0 : index
    tpu.barrier barrier_id(%barrier3A_53)
    %add3A_54 = arith.constant 5 : i32
    %add3A_55 = arith.addi %mul3A_0, %add3A_54 : i32
    "tpu.region"() ({
      %run_scoped3A = tpu.sem_alloc : memref<!tpu.dma_semaphore, #tpu.memory_space<semaphore_mem>>
      %dma_start3A = arith.constant 0 : i32
      %dma_start3A_75 = tpu.memref_slice %arg7[%dma_start3A] : memref<1000000xf32, #tpu.memory_space<vmem_shared>> -> memref<1000000xf32, #tpu.memory_space<vmem_shared>>
      tpu.enqueue_indirect_dma source(%dma_start3A_75 : memref<1000000xf32, #tpu.memory_space<vmem_shared>>) target(%arg6 : memref<26624xf32, #tpu.memory_space<vmem>>) offsets(%arg5 : memref<26624xi32, #tpu.memory_space<vmem>>) semaphore(%run_scoped3A : memref<!tpu.dma_semaphore, #tpu.memory_space<semaphore_mem>>)
      %dma_wait3A = arith.constant 0 : i32
      %dma_wait3A_76 = tpu.memref_slice %arg7[%dma_wait3A] : memref<1000000xf32, #tpu.memory_space<vmem_shared>> -> memref<1000000xf32, #tpu.memory_space<vmem_shared>>
      tpu.wait_indirect_dma semaphore(%run_scoped3A : memref<!tpu.dma_semaphore, #tpu.memory_space<semaphore_mem>>) src(%dma_wait3A_76 : memref<1000000xf32, #tpu.memory_space<vmem_shared>>) dst(%arg6 : memref<26624xf32, #tpu.memory_space<vmem>>)
      tpu.yield
    }) : () -> ()
    "tpu.region"() ({
      %run_scoped3A = tpu.sem_alloc : memref<!tpu.dma_semaphore, #tpu.memory_space<semaphore_mem>>
      %dma_start3A = tpu.memref_slice %arg4[%add3A_55, %mul3A_2] : memref<16x425984xf32, #tpu.memory_space<hbm>> -> memref<1x26624xf32, #tpu.memory_space<hbm>>
      %dma_start3A_75 = tpu.memref_squeeze %dma_start3A : memref<1x26624xf32, #tpu.memory_space<hbm>> -> memref<26624xf32, #tpu.memory_space<hbm>>
      %dma_start3A_76 = tpu.memref_slice %arg4[%add3A_55, %mul3A_2] : memref<16x425984xf32, #tpu.memory_space<hbm>> -> memref<1x26624xf32, #tpu.memory_space<hbm>>
      %dma_start3A_77 = tpu.memref_squeeze %dma_start3A_76 : memref<1x26624xf32, #tpu.memory_space<hbm>> -> memref<26624xf32, #tpu.memory_space<hbm>>
      tpu.enqueue_dma source(%arg6 : memref<26624xf32, #tpu.memory_space<vmem>>) target(%dma_start3A_77 : memref<26624xf32, #tpu.memory_space<hbm>>) target_semaphore(%run_scoped3A : memref<!tpu.dma_semaphore, #tpu.memory_space<semaphore_mem>>)
      %dma_wait3A = tpu.memref_slice %arg4[%add3A_55, %mul3A_2] : memref<16x425984xf32, #tpu.memory_space<hbm>> -> memref<1x26624xf32, #tpu.memory_space<hbm>>
      %dma_wait3A_78 = tpu.memref_squeeze %dma_wait3A : memref<1x26624xf32, #tpu.memory_space<hbm>> -> memref<26624xf32, #tpu.memory_space<hbm>>
      %dma_wait3A_79 = tpu.memref_slice %arg4[%add3A_55, %mul3A_2] : memref<16x425984xf32, #tpu.memory_space<hbm>> -> memref<1x26624xf32, #tpu.memory_space<hbm>>
      %dma_wait3A_80 = tpu.memref_squeeze %dma_wait3A_79 : memref<1x26624xf32, #tpu.memory_space<hbm>> -> memref<26624xf32, #tpu.memory_space<hbm>>
      tpu.wait_dma2 semaphore(%run_scoped3A : memref<!tpu.dma_semaphore, #tpu.memory_space<semaphore_mem>>) src(%arg6 : memref<26624xf32, #tpu.memory_space<vmem>>) dst(%dma_wait3A_80 : memref<26624xf32, #tpu.memory_space<hbm>>)
      tpu.yield
    }) : () -> ()
    %barrier3A_56 = arith.constant 0 : index
    tpu.barrier barrier_id(%barrier3A_56)
    %eq3A_57 = arith.constant 0 : i32
    %eq3A_58 = arith.cmpi eq, %arg1, %eq3A_57 : i32
    %convert_element_type3A_59 = arith.extui %eq3A_58 : i1 to i32
    %cond3A_60 = arith.constant 0 : i32
    %cond3A_61 = arith.cmpi ne, %convert_element_type3A_59, %cond3A_60 : i32
    scf.if %cond3A_61 {
      %add3A_75 = arith.constant 1 : i32
      %add3A_76 = arith.addi %add3A_55, %add3A_75 : i32
      "tpu.region"() ({
        %run_scoped3A = tpu.sem_alloc : memref<!tpu.dma_semaphore, #tpu.memory_space<semaphore_mem>>
        %dma_start3A = arith.constant 0 : i32
        %dma_start3A_77 = tpu.memref_slice %arg3[%add3A_76, %dma_start3A] : memref<16x1000000xf32, #tpu.memory_space<hbm>> -> memref<1x1000000xf32, #tpu.memory_space<hbm>>
        %dma_start3A_78 = tpu.memref_squeeze %dma_start3A_77 : memref<1x1000000xf32, #tpu.memory_space<hbm>> -> memref<1000000xf32, #tpu.memory_space<hbm>>
        tpu.enqueue_dma source(%dma_start3A_78 : memref<1000000xf32, #tpu.memory_space<hbm>>) target(%arg7 : memref<1000000xf32, #tpu.memory_space<vmem_shared>>) target_semaphore(%run_scoped3A : memref<!tpu.dma_semaphore, #tpu.memory_space<semaphore_mem>>)
        %dma_wait3A = arith.constant 0 : i32
        %dma_wait3A_79 = tpu.memref_slice %arg3[%add3A_76, %dma_wait3A] : memref<16x1000000xf32, #tpu.memory_space<hbm>> -> memref<1x1000000xf32, #tpu.memory_space<hbm>>
        %dma_wait3A_80 = tpu.memref_squeeze %dma_wait3A_79 : memref<1x1000000xf32, #tpu.memory_space<hbm>> -> memref<1000000xf32, #tpu.memory_space<hbm>>
        tpu.wait_dma2 semaphore(%run_scoped3A : memref<!tpu.dma_semaphore, #tpu.memory_space<semaphore_mem>>) src(%dma_wait3A_80 : memref<1000000xf32, #tpu.memory_space<hbm>>) dst(%arg7 : memref<1000000xf32, #tpu.memory_space<vmem_shared>>)
        tpu.yield
      }) : () -> ()
    } else {
    }
    %barrier3A_62 = arith.constant 0 : index
    tpu.barrier barrier_id(%barrier3A_62)
    %add3A_63 = arith.constant 6 : i32
    %add3A_64 = arith.addi %mul3A_0, %add3A_63 : i32
    "tpu.region"() ({
      %run_scoped3A = tpu.sem_alloc : memref<!tpu.dma_semaphore, #tpu.memory_space<semaphore_mem>>
      %dma_start3A = arith.constant 0 : i32
      %dma_start3A_75 = tpu.memref_slice %arg7[%dma_start3A] : memref<1000000xf32, #tpu.memory_space<vmem_shared>> -> memref<1000000xf32, #tpu.memory_space<vmem_shared>>
      tpu.enqueue_indirect_dma source(%dma_start3A_75 : memref<1000000xf32, #tpu.memory_space<vmem_shared>>) target(%arg6 : memref<26624xf32, #tpu.memory_space<vmem>>) offsets(%arg5 : memref<26624xi32, #tpu.memory_space<vmem>>) semaphore(%run_scoped3A : memref<!tpu.dma_semaphore, #tpu.memory_space<semaphore_mem>>)
      %dma_wait3A = arith.constant 0 : i32
      %dma_wait3A_76 = tpu.memref_slice %arg7[%dma_wait3A] : memref<1000000xf32, #tpu.memory_space<vmem_shared>> -> memref<1000000xf32, #tpu.memory_space<vmem_shared>>
      tpu.wait_indirect_dma semaphore(%run_scoped3A : memref<!tpu.dma_semaphore, #tpu.memory_space<semaphore_mem>>) src(%dma_wait3A_76 : memref<1000000xf32, #tpu.memory_space<vmem_shared>>) dst(%arg6 : memref<26624xf32, #tpu.memory_space<vmem>>)
      tpu.yield
    }) : () -> ()
    "tpu.region"() ({
      %run_scoped3A = tpu.sem_alloc : memref<!tpu.dma_semaphore, #tpu.memory_space<semaphore_mem>>
      %dma_start3A = tpu.memref_slice %arg4[%add3A_64, %mul3A_2] : memref<16x425984xf32, #tpu.memory_space<hbm>> -> memref<1x26624xf32, #tpu.memory_space<hbm>>
      %dma_start3A_75 = tpu.memref_squeeze %dma_start3A : memref<1x26624xf32, #tpu.memory_space<hbm>> -> memref<26624xf32, #tpu.memory_space<hbm>>
      %dma_start3A_76 = tpu.memref_slice %arg4[%add3A_64, %mul3A_2] : memref<16x425984xf32, #tpu.memory_space<hbm>> -> memref<1x26624xf32, #tpu.memory_space<hbm>>
      %dma_start3A_77 = tpu.memref_squeeze %dma_start3A_76 : memref<1x26624xf32, #tpu.memory_space<hbm>> -> memref<26624xf32, #tpu.memory_space<hbm>>
      tpu.enqueue_dma source(%arg6 : memref<26624xf32, #tpu.memory_space<vmem>>) target(%dma_start3A_77 : memref<26624xf32, #tpu.memory_space<hbm>>) target_semaphore(%run_scoped3A : memref<!tpu.dma_semaphore, #tpu.memory_space<semaphore_mem>>)
      %dma_wait3A = tpu.memref_slice %arg4[%add3A_64, %mul3A_2] : memref<16x425984xf32, #tpu.memory_space<hbm>> -> memref<1x26624xf32, #tpu.memory_space<hbm>>
      %dma_wait3A_78 = tpu.memref_squeeze %dma_wait3A : memref<1x26624xf32, #tpu.memory_space<hbm>> -> memref<26624xf32, #tpu.memory_space<hbm>>
      %dma_wait3A_79 = tpu.memref_slice %arg4[%add3A_64, %mul3A_2] : memref<16x425984xf32, #tpu.memory_space<hbm>> -> memref<1x26624xf32, #tpu.memory_space<hbm>>
      %dma_wait3A_80 = tpu.memref_squeeze %dma_wait3A_79 : memref<1x26624xf32, #tpu.memory_space<hbm>> -> memref<26624xf32, #tpu.memory_space<hbm>>
      tpu.wait_dma2 semaphore(%run_scoped3A : memref<!tpu.dma_semaphore, #tpu.memory_space<semaphore_mem>>) src(%arg6 : memref<26624xf32, #tpu.memory_space<vmem>>) dst(%dma_wait3A_80 : memref<26624xf32, #tpu.memory_space<hbm>>)
      tpu.yield
    }) : () -> ()
    %barrier3A_65 = arith.constant 0 : index
    tpu.barrier barrier_id(%barrier3A_65)
    %eq3A_66 = arith.constant 0 : i32
    %eq3A_67 = arith.cmpi eq, %arg1, %eq3A_66 : i32
    %convert_element_type3A_68 = arith.extui %eq3A_67 : i1 to i32
    %cond3A_69 = arith.constant 0 : i32
    %cond3A_70 = arith.cmpi ne, %convert_element_type3A_68, %cond3A_69 : i32
    scf.if %cond3A_70 {
      %add3A_75 = arith.constant 1 : i32
      %add3A_76 = arith.addi %add3A_64, %add3A_75 : i32
      "tpu.region"() ({
        %run_scoped3A = tpu.sem_alloc : memref<!tpu.dma_semaphore, #tpu.memory_space<semaphore_mem>>
        %dma_start3A = arith.constant 0 : i32
        %dma_start3A_77 = tpu.memref_slice %arg3[%add3A_76, %dma_start3A] : memref<16x1000000xf32, #tpu.memory_space<hbm>> -> memref<1x1000000xf32, #tpu.memory_space<hbm>>
        %dma_start3A_78 = tpu.memref_squeeze %dma_start3A_77 : memref<1x1000000xf32, #tpu.memory_space<hbm>> -> memref<1000000xf32, #tpu.memory_space<hbm>>
        tpu.enqueue_dma source(%dma_start3A_78 : memref<1000000xf32, #tpu.memory_space<hbm>>) target(%arg7 : memref<1000000xf32, #tpu.memory_space<vmem_shared>>) target_semaphore(%run_scoped3A : memref<!tpu.dma_semaphore, #tpu.memory_space<semaphore_mem>>)
        %dma_wait3A = arith.constant 0 : i32
        %dma_wait3A_79 = tpu.memref_slice %arg3[%add3A_76, %dma_wait3A] : memref<16x1000000xf32, #tpu.memory_space<hbm>> -> memref<1x1000000xf32, #tpu.memory_space<hbm>>
        %dma_wait3A_80 = tpu.memref_squeeze %dma_wait3A_79 : memref<1x1000000xf32, #tpu.memory_space<hbm>> -> memref<1000000xf32, #tpu.memory_space<hbm>>
        tpu.wait_dma2 semaphore(%run_scoped3A : memref<!tpu.dma_semaphore, #tpu.memory_space<semaphore_mem>>) src(%dma_wait3A_80 : memref<1000000xf32, #tpu.memory_space<hbm>>) dst(%arg7 : memref<1000000xf32, #tpu.memory_space<vmem_shared>>)
        tpu.yield
      }) : () -> ()
    } else {
    }
    %barrier3A_71 = arith.constant 0 : index
    tpu.barrier barrier_id(%barrier3A_71)
    %add3A_72 = arith.constant 7 : i32
    %add3A_73 = arith.addi %mul3A_0, %add3A_72 : i32
    "tpu.region"() ({
      %run_scoped3A = tpu.sem_alloc : memref<!tpu.dma_semaphore, #tpu.memory_space<semaphore_mem>>
      %dma_start3A = arith.constant 0 : i32
      %dma_start3A_75 = tpu.memref_slice %arg7[%dma_start3A] : memref<1000000xf32, #tpu.memory_space<vmem_shared>> -> memref<1000000xf32, #tpu.memory_space<vmem_shared>>
      tpu.enqueue_indirect_dma source(%dma_start3A_75 : memref<1000000xf32, #tpu.memory_space<vmem_shared>>) target(%arg6 : memref<26624xf32, #tpu.memory_space<vmem>>) offsets(%arg5 : memref<26624xi32, #tpu.memory_space<vmem>>) semaphore(%run_scoped3A : memref<!tpu.dma_semaphore, #tpu.memory_space<semaphore_mem>>)
      %dma_wait3A = arith.constant 0 : i32
      %dma_wait3A_76 = tpu.memref_slice %arg7[%dma_wait3A] : memref<1000000xf32, #tpu.memory_space<vmem_shared>> -> memref<1000000xf32, #tpu.memory_space<vmem_shared>>
      tpu.wait_indirect_dma semaphore(%run_scoped3A : memref<!tpu.dma_semaphore, #tpu.memory_space<semaphore_mem>>) src(%dma_wait3A_76 : memref<1000000xf32, #tpu.memory_space<vmem_shared>>) dst(%arg6 : memref<26624xf32, #tpu.memory_space<vmem>>)
      tpu.yield
    }) : () -> ()
    "tpu.region"() ({
      %run_scoped3A = tpu.sem_alloc : memref<!tpu.dma_semaphore, #tpu.memory_space<semaphore_mem>>
      %dma_start3A = tpu.memref_slice %arg4[%add3A_73, %mul3A_2] : memref<16x425984xf32, #tpu.memory_space<hbm>> -> memref<1x26624xf32, #tpu.memory_space<hbm>>
      %dma_start3A_75 = tpu.memref_squeeze %dma_start3A : memref<1x26624xf32, #tpu.memory_space<hbm>> -> memref<26624xf32, #tpu.memory_space<hbm>>
      %dma_start3A_76 = tpu.memref_slice %arg4[%add3A_73, %mul3A_2] : memref<16x425984xf32, #tpu.memory_space<hbm>> -> memref<1x26624xf32, #tpu.memory_space<hbm>>
      %dma_start3A_77 = tpu.memref_squeeze %dma_start3A_76 : memref<1x26624xf32, #tpu.memory_space<hbm>> -> memref<26624xf32, #tpu.memory_space<hbm>>
      tpu.enqueue_dma source(%arg6 : memref<26624xf32, #tpu.memory_space<vmem>>) target(%dma_start3A_77 : memref<26624xf32, #tpu.memory_space<hbm>>) target_semaphore(%run_scoped3A : memref<!tpu.dma_semaphore, #tpu.memory_space<semaphore_mem>>)
      %dma_wait3A = tpu.memref_slice %arg4[%add3A_73, %mul3A_2] : memref<16x425984xf32, #tpu.memory_space<hbm>> -> memref<1x26624xf32, #tpu.memory_space<hbm>>
      %dma_wait3A_78 = tpu.memref_squeeze %dma_wait3A : memref<1x26624xf32, #tpu.memory_space<hbm>> -> memref<26624xf32, #tpu.memory_space<hbm>>
      %dma_wait3A_79 = tpu.memref_slice %arg4[%add3A_73, %mul3A_2] : memref<16x425984xf32, #tpu.memory_space<hbm>> -> memref<1x26624xf32, #tpu.memory_space<hbm>>
      %dma_wait3A_80 = tpu.memref_squeeze %dma_wait3A_79 : memref<1x26624xf32, #tpu.memory_space<hbm>> -> memref<26624xf32, #tpu.memory_space<hbm>>
      tpu.wait_dma2 semaphore(%run_scoped3A : memref<!tpu.dma_semaphore, #tpu.memory_space<semaphore_mem>>) src(%arg6 : memref<26624xf32, #tpu.memory_space<vmem>>) dst(%dma_wait3A_80 : memref<26624xf32, #tpu.memory_space<hbm>>)
      tpu.yield
    }) : () -> ()
    %barrier3A_74 = arith.constant 0 : index
    tpu.barrier barrier_id(%barrier3A_74)
    return
  }
}

module attributes {stable_mosaic.version = 14 : i64} {
  func.func @_mm_body(%arg0: i32, %arg1: memref<16x64xf32, #tpu.memory_space<vmem>>, %arg2: memref<64xf32, #tpu.memory_space<vmem>>, %arg3: memref<16x16384xf32, #tpu.memory_space<vmem>>, %arg4: memref<1x64x16384xf32, #tpu.memory_space<vmem>>) attributes {dimension_semantics = [#tpu.dimension_semantics<arbitrary>], iteration_bounds = array<i64: 26>, scalar_prefetch = 0 : i64, scratch_operands = 0 : i64, tpu.core_type = #tpu.core_type<tc>, window_params = [{pipeline_mode = #tpu.pipeline_mode<synchronous>, transform_indices = @transform_0, window_bounds = array<i64: 16, 64>}, {pipeline_mode = #tpu.pipeline_mode<synchronous>, transform_indices = @transform_1, window_bounds = array<i64: 64>}, {transform_indices = @transform_2, window_bounds = array<i64: 16, 16384>}, {transform_indices = @transform_3, window_bounds = array<i64: 1, 64, 16384>}]} {
    %get3A = arith.constant 0 : index
    %get3A_0 = arith.constant 0 : index
    %get3A_1 = vector.load %arg1[%get3A, %get3A_0] : memref<16x64xf32, #tpu.memory_space<vmem>>, vector<16x64xf32>
    %get3A_2 = arith.constant 0 : index
    %get3A_3 = arith.constant 0 : index
    %get3A_4 = vector.load %arg3[%get3A_2, %get3A_3] : memref<16x16384xf32, #tpu.memory_space<vmem>>, vector<16x16384xf32>
    %dot_general3A = arith.constant dense<0.000000e+00> : vector<64x16384xf32>
    %dot_general3A_5 = tpu.matmul %get3A_1, %get3A_4, %dot_general3A {dimension_numbers = #tpu.dot_dimension_numbers<[0], [0], [1], [1], [0, 1, 1, 1], [], []>, transpose_lhs_hint = false} : vector<16x64xf32>, vector<16x16384xf32>, vector<64x16384xf32> -> vector<64x16384xf32>
    %get3A_6 = arith.constant 0 : index
    %get3A_7 = vector.load %arg2[%get3A_6] : memref<64xf32, #tpu.memory_space<vmem>>, vector<64xf32>
    %reshape3A = vector.shape_cast %get3A_7 : vector<64xf32> to vector<64x1xf32>
    %add3A = vector.broadcast %reshape3A : vector<64x1xf32> to vector<64x16384xf32>
    %add3A_8 = arith.addf %dot_general3A_5, %add3A : vector<64x16384xf32>
    %swap3A = arith.constant 0 : index
    %swap3A_9 = arith.constant 0 : index
    %swap3A_10 = arith.constant 0 : index
    %swap3A_11 = vector.load %arg4[%swap3A, %swap3A_9, %swap3A_10] : memref<1x64x16384xf32, #tpu.memory_space<vmem>>, vector<1x64x16384xf32>
    %swap3A_12 = vector.shape_cast %swap3A_11 : vector<1x64x16384xf32> to vector<64x16384xf32>
    %swap3A_13 = vector.shape_cast %add3A_8 : vector<64x16384xf32> to vector<1x64x16384xf32>
    tpu.vector_store %arg4[%swap3A, %swap3A_9, %swap3A_10], %swap3A_13 {strides = array<i32>} : memref<1x64x16384xf32, #tpu.memory_space<vmem>>, vector<1x64x16384xf32>,
    return
  }
  func.func @transform_0(%arg0: i32) -> (i32, i32) {
    %c0_i32 = arith.constant 0 : i32
    %c0_i32_0 = arith.constant 0 : i32
    %c0_i32_1 = arith.constant 0 : i32
    return %c0_i32, %c0_i32_0 : i32, i32
  }
  func.func @transform_1(%arg0: i32) -> i32 {
    %c0_i32 = arith.constant 0 : i32
    %c0_i32_0 = arith.constant 0 : i32
    return %c0_i32 : i32
  }
  func.func @transform_2(%arg0: i32) -> (i32, i32) {
    %c0_i32 = arith.constant 0 : i32
    %c0_i32_0 = arith.constant 0 : i32
    return %c0_i32, %arg0 : i32, i32
  }
  func.func @transform_3(%arg0: i32) -> (i32, i32, i32) {
    %c0_i32 = arith.constant 0 : i32
    %c0_i32_0 = arith.constant 0 : i32
    %c0_i32_1 = arith.constant 0 : i32
    return %arg0, %c0_i32, %c0_i32_0 : i32, i32, i32
  }
}

</mosaic_0001>

<sc_bundles>
// kernel: kernel.4.cloned.1.call-start
scs
__scs_entry_jumppad:
0x0: {  	(pc) =	sbr.rel $0x88, $3  }
0x1: {  	(tag) =	ssettag $0x0;
	lr =	simm.s32 $0x1  }
0x2: {  	[smem:$0x3F9D] =	sst lr;
	_ =	strace $0xD0000000  }
0x3: {  	_ = 	snop  }
0x4: {  	_ = 	snop  }
0x5: {  	_ = 	snop  }
0x6: {  	_ = 	snop  }
0x7: {  	_ = 	snop  }
__scs_overlays_trampoline_lowered:
0x8: {  	[smem:$0x3FAC] =	sst s0  }
0x9: {  	[smem:$0x3FAD] =	sst s1  }
0xa: {  	[smem:$0x3FAE] =	sst s2  }
0xb: {  	[smem:$0x3FAF] =	sst s3  }
0xc: {  	[smem:$0x3FB0] =	sst s4  }
0xd: {  	[smem:$0x3FB1] =	sst s5  }
0xe: {  	[smem:$0x3FB2] =	sst s6  }
0xf: {  	[smem:$0x3FB3] =	sst s7  }
0x10: {  	[smem:$0x3FB4] =	sst s8  }
0x11: {  	[smem:$0x3FB5] =	sst s9;
	s0 =	simm.s32 @!p0 $0x0  }
0x12: {  	s1 =	sld [smem:$0x3F9B];
	s0 =	simm.s32 @p0 $0x1  }
0x13: {  	[smem:$0x3FB6] =	sst s0;
	s0 =	simm.s32 @!p1 $0x0  }
0x14: {  	s2 =	sld [smem:$0x3F9A];
	s0 =	simm.s32 @p1 $0x1  }
0x15: {  	[smem:$0x3FB7] =	sst s0;
	s0 =	simm.s32 @!p2 $0x0  }
0x16: {  	s3 =	sld [smem:$0x3FDB];
	s0 =	simm.s32 @p2 $0x1  }
0x17: {  	s4 =	simm.s32 $0x1BF5;
	[smem:$0x3FB9] =	sst s0  }
0x18: {  	s0 =	sld [smem:$0x3F9C];
	_ =	swait.ge [sflag:s4], $0x0  }
0x19: {  	s7 =	sld [smem:$0x3F9D]  }
0x1a: {  	s8 =	sadd.s32 $0xFFFFE003, lr  }
0x1b: {  	s9 =	sadd.s32 $0xFFFFFEF7, lr;
	s5 =	simm.s32 $0xFFFFFFFF;
	p2 =	slt.u32 s8, $0xFFFFF086  }
0x1c: {  	p1 =	slt.u32 s9, $0xF7A;
	s5 =	simm.s32 @!p2 $0x0  }
0x1d: {  	s5 =	simm.s32 @p1 $0x1;
	p0 =	seq.s32 s7, s2  }
0x1e: {  	s7 =	smul.u32 @!p0 $0xF7A, s2;
	p2 =	seq.s32 @!p0 s5, $0x0  }
0x1f: {  	s9 =	smul.u32 $0xF7A, s1;
	s8 =	simm.s32 @!p0 $0x1BF5;
	p2 =	por !p2, p0  }
0x20: {  	[sflag:s8] =	ssyncset.s32 @!p0 $0xFFFFF086;
	s6 =	sadd.s32 @!p0 s3, s7;
	s7 =	simm.s32 @!p0 $0x108  }
0x21: {  	s3 =	sadd.s32 s3, s9;
	s6 =	sadd.s32 @!p0 $0x88, s6;
	s7 =	simm.s32 @p2 $0x1082  }
0x22: {  	[simem:s7], [sflag:s8] =	dma.local @!p0 [hbm:s6], $0xF7A  }
0x23: {  	s9 =	sor.u32 $0xD0000000, s2;
	s6 =	simm.s32 $0x108;
	_ =	swait.ge @!p0 [sflag:s8], $0x0  }
0x24: {  	s3 =	sadd.s32 $0x88, s3;
	s6 =	simm.s32 @!p1 $0x1082;
	[sflag:s4] =	ssyncset.s32 $0xFFFFF086  }
0x25: {  	[simem:s6], [sflag:s4] =	dma.local [hbm:s3], $0xF7A  }
0x26: {  	[smem:$0x3F9D] =	sst s1;
	(tag) =	ssettag s2;
	_ =	strace s9  }
0x27: {  	s1 =	sld [smem:$0x3FAD]  }
0x28: {  	s2 =	sld [smem:$0x3FAE]  }
0x29: {  	s4 =	sld [smem:$0x3FB0]  }
0x2a: {  	p0 =	seq.s32 s5, $0x0;
	s5 =	sld [smem:$0x3FB1]  }
0x2b: {  	s6 =	sld [smem:$0x3FB2]  }
0x2c: {  	s7 =	sld [smem:$0x3FB3]  }
0x2d: {  	s3 =	simm.s32 $0x108;
	s8 =	sld [smem:$0x3FB4]  }
0x2e: {  	s3 =	simm.s32 @!p0 $0x1082;
	s9 =	sld [smem:$0x3FB5]  }
0x2f: {  	lr =	sadd.s32 s0, s3;
	s0 =	sld [smem:$0x3FAC]  }
0x30: {  	s3 =	sld [smem:$0x3FAF]  }
0x31: {  	[smem:$0x3FB8] =	sst s10  }
0x32: {  	s10 =	sld [smem:$0x3FB6];
	_ =	sdelay $0x3  }
0x33: {  	p0 =	seq.s32 s10, $0x1;
	s10 =	sld [smem:$0x3FB8];
	_ =	sdelay $0x3  }
0x34: {  	[smem:$0x3FB8] =	sst s10  }
0x35: {  	s10 =	sld [smem:$0x3FB7];
	_ =	sdelay $0x3  }
0x36: {  	p1 =	seq.s32 s10, $0x1;
	s10 =	sld [smem:$0x3FB8];
	_ =	sdelay $0x3  }
0x37: {  	[smem:$0x3FB8] =	sst s10  }
0x38: {  	s10 =	sld [smem:$0x3FB9]  }
0x39: {  	_ = 	snop;
	(pc) =	sbr.ind lr, $3  }
0x3a: {  	_ = 	snop  }
0x3b: {  	_ = 	snop  }
0x3c: {  	p2 =	seq.s32 s10, $0x1;
	s10 =	sld [smem:$0x3FB8]  }
0x3d: {  	_ =	shalt  }
0x3e: {  	_ =	shalt  }
0x3f: {  	_ =	shalt  }
0x40: {  	_ =	shalt  }
0x41: {  	_ =	shalt  }
0x42: {  	_ =	shalt  }
0x43: {  	_ =	shalt  }
0x44: {  	_ =	shalt  }
0x45: {  	_ =	shalt  }
0x46: {  	_ =	shalt  }
0x47: {  	_ =	shalt  }
0x48: {  	_ =	shalt  }
0x49: {  	_ =	shalt  }
0x4a: {  	_ =	shalt  }
0x4b: {  	_ =	shalt  }
0x4c: {  	_ =	shalt  }
0x4d: {  	_ =	shalt  }
0x4e: {  	_ =	shalt  }
0x4f: {  	_ =	shalt  }
0x50: {  	_ =	shalt  }
0x51: {  	_ =	shalt  }
0x52: {  	_ =	shalt  }
0x53: {  	_ =	shalt  }
0x54: {  	_ =	shalt  }
0x55: {  	_ =	shalt  }
0x56: {  	_ =	shalt  }
0x57: {  	_ =	shalt  }
0x58: {  	_ =	shalt  }
0x59: {  	_ =	shalt  }
0x5a: {  	_ =	shalt  }
0x5b: {  	_ =	shalt  }
0x5c: {  	_ =	shalt  }
0x5d: {  	_ =	shalt  }
0x5e: {  	_ =	shalt  }
0x5f: {  	_ =	shalt  }
0x60: {  	_ =	shalt  }
0x61: {  	_ =	shalt  }
0x62: {  	_ =	shalt  }
0x63: {  	_ =	shalt  }
0x64: {  	_ =	shalt  }
0x65: {  	_ =	shalt  }
0x66: {  	_ =	shalt  }
0x67: {  	_ =	shalt  }
0x68: {  	_ =	shalt  }
0x69: {  	_ =	shalt  }
0x6a: {  	_ =	shalt  }
0x6b: {  	_ =	shalt  }
0x6c: {  	_ =	shalt  }
0x6d: {  	_ =	shalt  }
0x6e: {  	_ =	shalt  }
0x6f: {  	_ =	shalt  }
0x70: {  	_ =	shalt  }
0x71: {  	_ =	shalt  }
0x72: {  	_ =	shalt  }
0x73: {  	_ =	shalt  }
0x74: {  	_ =	shalt  }
0x75: {  	_ =	shalt  }
0x76: {  	_ =	shalt  }
0x77: {  	_ =	shalt  }
0x78: {  	_ =	shalt  }
0x79: {  	_ =	shalt  }
0x7a: {  	_ =	shalt  }
0x7b: {  	_ =	shalt  }
0x7c: {  	_ =	shalt  }
0x7d: {  	_ =	shalt  }
0x7e: {  	_ =	shalt  }
0x7f: {  	_ =	shalt  }
0x80: {  	_ =	shalt  }
0x81: {  	_ =	shalt  }
0x82: {  	_ =	shalt  }
0x83: {  	_ =	shalt  }
0x84: {  	_ =	shalt  }
0x85: {  	_ =	shalt  }
0x86: {  	_ =	shalt  }
0x87: {  	_ =	shalt  }
.Lfunc_end0:
.L_simem_size_0:
called_computation_lowered:
.L_overlay_start_0:
0x88: {  	s2 =	sld [smem:$0x3FD9]  }
0x89: {  	s3 =	sld [smem:$0x3FFE];
	_ =	sdelay $0x1  }
0x8a: {  	s1 =	srdreg.scid  }
0x8b: {  	s0 =	sand.u32 $0x1, s1  }
0x8c: {  	s17 =	sshll.u32 s0, $0xA;
	s2 =	sadd.s32 s3, s2  }
0x8d: {  	s2 =	sadd.s32 s2, s17  }
0x8e: {  	[smem:$0x3FC4] =	sst s2  }
0x8f: {  	_ = 	snop  }
0x90: {  	s2 =	sld [smem:$0x3FC8]  }
0x91: {  	s18 =	sld [smem:$0x3FD0];
	(tm) =	ssettm $0x1  }
0x92: {  	s4 =	sld [smem:$0x3FFB];
	_ =	sdelay $0x3  }
0x93: {  	_ =	strace s4  }
0x94: {  	s4 =	sld [smem:$0x3FFC];
	_ =	sdelay $0x3  }
0x95: {  	_ =	strace s4  }
0x96: {  	s4 =	sld [smem:$0x3FFD];
	_ =	sdelay $0x3  }
0x97: {  	_ =	strace s4  }
0x98: {  	_ =	strace $0x8FFFFFFF  }
0x99: {  	s19 =	sld [smem:$0x3FDB];
	_ =	sdelay $0x1  }
0x9a: {  	s5 =	simm.s32 $_scs_section_size  }
0x9b: {  	s6 =	simm.s32 $_size__tile_overlayer_lowered;
	s7 =	simm.s32 $_tile_overlayer_lowered  }
0x9c: {  	s22 =	simm.s32 $0x1BFF;
	s21 =	sshll.u32 s7, $0x1;
	s4 =	sadd.s32 s5, s19  }
0x9d: {  	s8 =	simm.s32 $0x0;
	s20 =	sshll.u32 s6, $0x1;
	s6 =	sadd.s32 s21, s4  }
0x9e: {  	[timem:s8], [sflag:s22] =	dma.local [hbm:s6], s20  }
0x9f: {  	_ =	swait.ge [sflag:s22], s20  }
0xa0: {  	s5 =	ssub.s32 $0x0, s20;
	[sflag:s22] =	ssyncset.done $0x0  }
0xa1: {  	[sflag:s22] =	ssyncadd.s32 s5;
	_ =	sdelay $0x1  }
0xa2: {  	s23 =	simm.s32 $0x1B8B  }
0xa3: {  	_ =	swait.ge [sflag:s23], $0x1  }
0xa4: {  	[sflag:s23] =	ssyncset.done $0x0  }
0xa5: {  	s25 =	simm.s32 $0x1B8E;
	s24 =	sld [smem:$0x3FFE];
	[sflag:s23] =	ssyncadd.s32 $0xFFFFFFFF  }
0xa6: {  	s26 =	simm.s32 $execute0_lowered;
	[smem:$0x3FD2] =	sst s25  }
0xa7: {  	s6 =	sshll.u32 s26, $0x1;
	_ =	strace $0x80000046;
	[dreg:$0x1] =	wrdreg $0xFFFFFFFF  }
0xa8: {  	s28 =	simm.s32 $_size_execute0_lowered;
	s4 =	sadd.s32 s4, s6;
	[dreg:$0x0] =	wrdreg $0x0  }
0xa9: {  	s6 =	sshll.u32 s28, $0x1;
	[dreg:$0x2] =	wrdreg s4  }
0xaa: {  	[dreg:$0x3] =	wrdreg s6  }
0xab: {  	[dreg:$0x4] =	wrdreg $0xC0  }
0xac: {  	_ =	task [dreg:s8], $0x5FFFF  }
0xad: {  	[dreg:$0x1] =	wrdreg $0xFFFFFFFF  }
0xae: {  	[dreg:$0x0] =	wrdreg $0x60  }
0xaf: {  	[dreg:$0x2] =	wrdreg s18  }
0xb0: {  	[dreg:$0x3] =	wrdreg s2  }
0xb1: {  	[dreg:$0x4] =	wrdreg s24  }
0xb2: {  	[dreg:$0x5] =	wrdreg $0xD0000  }
0xb3: {  	[dreg:$0x6] =	wrdreg $0x9  }
0xb4: {  	_ =	task.clear_ibuf [dreg:s8], $0x7FFFF;
	_ =	strace $0x90000046  }
0xb5: {  	s29 =	simm.s32 $0x9;
	_ =	strace $0x80000048  }
0xb6: {  	_ =	swait.ge [sflag:s29], $0x1  }
0xb7: {  	[sflag:s29] =	ssyncadd.s32 $0xFFFFFFFF  }
0xb8: {  	_ =	strace $0x90000048  }
0xb9: {  	_ =	sfence  }
0xba: {  	s30 =	sld [smem:$0x0];
	_ =	sdelay $0x2  }
0xbb: {  	s31 =	sshll.u32 s1, $0xD;
	s1 =	sshrl.u32 s1, $0x2  }
0xbc: {  	s3 =	sand.u32 $0x4000, s31;
	s1 =	sadd.s32 s1, s30  }
0xbd: {  	s0 =	sor.u32 s3, s0;
	s1 =	sshll.u32 s1, $0x11  }
0xbe: {  	s0 =	sor.u32 s1, s0  }
0xbf: {  	s0 =	sadd.s32 $0x8F2B, s0  }
0xc0: {  	[sflag:s0] =	ssyncadd.remote.s32 $0x1  }
0xc1: {  	_ =	sfence.sel $0xFFFF  }
0xc2: {  	[dreg:$0x0] =	wrdreg $0xFFFFFFFF;
	(pc) =	sbr.abs _section_cstart, $3  }
0xc3: {  	[dreg:$0x1] =	wrdreg $0xFFFFFFFF  }
0xc4: {  	_ =	task.clear_ibuf [dreg:s8], $0x2FFFF;
	_ =	strace $0x9FFFFFFF  }
0xc5: {  	(tm) =	ssettm $0x7FFFFFFF  }
tec
execute0_lowered:
.L_overlay_start_1:
0x0: {  	(tag) =	ssettag $0x1  }
0x1: {  	s0 =	rddreg [dreg:$0x0]  }
0x2: {  	s3 =	rddreg [dreg:$0x1]  }
0x3: {  	s4 =	rddreg [dreg:$0x2]  }
0x4: {  	s2 =	srdreg.scid;
	s1 =	rddreg [dreg:$0x3]  }
0x5: {  	s5 =	stileid.u32;
	s25 =	rddreg [dreg:$0x4]  }
0x6: {  	p1 =	por $0x0, $0x0;
	s6 =	sand.u32 $0x1, s2;
	s7 =	smul.u32 $0x34000, s5  }
0x7: {  	s2 =	simm.s32 $0x0;
	s26 =	smul.u32 $0xD00, s5;
	p0 =	sne.s32 s5, $0x0  }
0x8: {  	s5 =	simm.s32 $0x6800;
	s8 =	smul.u32 $0x340000, s6;
	[smem:$0x7FF] =	sst s2  }
0x9: {  	s9 =	ssub.s32 $0x2, s6;
	s6 =	smul.u32 $0xF4280, s6;
	s10 =	sshrl.u32 @!p0 s1, $0x3  }
0xa: {  	s12 =	simm.s32 @!p0 $0x1;
	s29 =	simm.s32 @!p0 $0x1C01;
	_ =	strace $0x80000047  }
0xb: {  	s28 =	sshrl.u32 s9, $0x1;
	s0 =	sadd.s32 s0, s26;
	s7 =	sadd.s32 s7, s8  }
0xc: {  	s30 =	ssub.s32 s9, s28;
	s24 =	sadd.s32 s3, s6;
	[dreg:$0x5] =	wrdreg s0  }
0xd: {  	s6 =	simm.s32 $0x80;
	s8 =	simm.s32 $0x400;
	s31 =	smax.u32 s30, $0x1  }
0xe: {  	s7 =	sshrl.u32 s7, $0x3;
	s22 =	sadd.s32 $0x10, s24;
	s0 =	sadd.s32 $0xFFFFFFFF, s31  }
0xf: {  	s20 =	sadd.s32 $0x20, s24;
	s18 =	sadd.s32 $0x30, s24;
	p2 =	sne.s32 s0, $0x0  }
.Ltmp0:
0x10: {  	s16 =	sadd.s32 $0x40, s24;
	s14 =	sadd.s32 $0x50, s24;
	(pc) =	sbr.rel @!p2 .LBB2_5-.Ltmp0, $4  }
0x11: {  	s11 =	sadd.s32 $0x60, s24;
	s4 =	sadd.s32 s7, s4;
	s7 =	sadd.s32 $0x70, s24  }
0x12: {  	s23 =	sadd.s32 $0x800, s4;
	s21 =	sadd.s32 $0x810, s4;
	s19 =	sadd.s32 $0x820, s4  }
0x13: {  	s17 =	sadd.s32 $0x830, s4;
	s15 =	sadd.s32 $0x840, s4;
	s13 =	sadd.s32 $0x850, s4  }
0x14: {  	s9 =	sadd.s32 $0x860, s4;
	s3 =	sadd.s32 $0x870, s4;
	s4 =	simm.s32 $0x2  }
0x15: {  	s26 =	simm.s32 @!p0 $0x10;
	s28 =	simm.s32 @!p0 $0x80  }
0x16: {  	[spmem:s10@s26], [sflag:s29] =	dma.strided @!p0 [hbm:s24@s28], $0x1E850, s12, $0x10   }
0x17: {  	s29 =	rddreg [dreg:$0x5]  }
0x18: {  	[tilespmem:s2], [sflag:$0x2] =	stream.linear.gather [hbm4b:s29+s2], $0x6800, $0x38;
	[tilespmem:$0x1C428] =	vst v63  }
0x19: {  	_ =	swait.ge [sflag:s4], $0x6800  }
0x1a: {  	[sflag:s4] =	ssyncset.done $0x0  }
0x1b: {  	[sflag:s4] =	ssyncadd.s32 $0xFFFF9800  }
0x1c: {  	_ =	swait.ge @!p0 [sflag:s12], $0x1E850  }
0x1d: {  	[sflag:s12] =	ssyncset.done @!p0 $0x0  }
0x1e: {  	[sflag:s12] =	ssyncadd.s32 @!p0 $0xFFFE17B0  }
0x1f: {  	[bflag:$0x0] =	sbarrier.arrive $0xFFFF  }
0x20: {  	[tilespmem:s5], [sflag:$0x2] =	stream.indirect.gather [spmem:s1], $0x1, s2, s5, $0xb8;
	[tilespmem:$0x1C428] =	vst v63  }
0x21: {  	_ =	swait.ge [sflag:s4], $0x6800  }
0x22: {  	[sflag:s4] =	ssyncset.done $0x0  }
0x23: {  	[sflag:s4] =	ssyncadd.s32 $0xFFFF9800  }
0x24: {  	[hbm4b:s23+s6] =	stream.strided.scatter [tilespmem:s5], [sflag:$0x2], $0x6800, s8, s6, $0x38;
	[tilespmem:$0x1C428] =	vst v63  }
0x25: {  	_ =	swait.ge [sflag:s4], $0x6800  }
0x26: {  	[sflag:s4] =	ssyncset.done $0x0  }
0x27: {  	[sflag:s4] =	ssyncadd.s32 $0xFFFF9800  }
0x28: {  	s30 =	simm.s32 @!p0 $0x2;
	s29 =	simm.s32 @!p0 $0x1C02;
	[bflag:$0x0] =	sbarrier.arrive $0xFFFF  }
0x29: {  	[spmem:s10@s26], [sflag:s29] =	dma.strided @!p0 [hbm:s22@s28], $0x1E850, s12, $0x10   }
0x2a: {  	_ =	swait.ge @!p0 [sflag:s30], $0x1E850  }
0x2b: {  	[sflag:s30] =	ssyncset.done @!p0 $0x0  }
0x2c: {  	[sflag:s30] =	ssyncadd.s32 @!p0 $0xFFFE17B0  }
0x2d: {  	[bflag:$0x0] =	sbarrier.arrive $0xFFFF  }
0x2e: {  	[tilespmem:s5], [sflag:$0x2] =	stream.indirect.gather [spmem:s1], $0x1, s2, s5, $0xb8;
	[tilespmem:$0x1C428] =	vst v63  }
0x2f: {  	_ =	swait.ge [sflag:s4], $0x6800  }
0x30: {  	[sflag:s4] =	ssyncset.done $0x0  }
0x31: {  	[sflag:s4] =	ssyncadd.s32 $0xFFFF9800  }
0x32: {  	[hbm4b:s21+s6] =	stream.strided.scatter [tilespmem:s5], [sflag:$0x2], $0x6800, s8, s6, $0x38;
	[tilespmem:$0x1C428] =	vst v63  }
0x33: {  	_ =	swait.ge [sflag:s4], $0x6800  }
0x34: {  	[sflag:s4] =	ssyncset.done $0x0  }
0x35: {  	[sflag:s4] =	ssyncadd.s32 $0xFFFF9800  }
0x36: {  	[bflag:$0x0] =	sbarrier.arrive $0xFFFF  }
0x37: {  	[spmem:s10@s26], [sflag:s29] =	dma.strided @!p0 [hbm:s20@s28], $0x1E850, s12, $0x10   }
0x38: {  	_ =	swait.ge @!p0 [sflag:s30], $0x1E850  }
0x39: {  	[sflag:s30] =	ssyncset.done @!p0 $0x0  }
0x3a: {  	[sflag:s30] =	ssyncadd.s32 @!p0 $0xFFFE17B0  }
0x3b: {  	[bflag:$0x0] =	sbarrier.arrive $0xFFFF  }
0x3c: {  	[tilespmem:s5], [sflag:$0x2] =	stream.indirect.gather [spmem:s1], $0x1, s2, s5, $0xb8;
	[tilespmem:$0x1C428] =	vst v63  }
0x3d: {  	_ =	swait.ge [sflag:s4], $0x6800  }
0x3e: {  	[sflag:s4] =	ssyncset.done $0x0  }
0x3f: {  	[sflag:s4] =	ssyncadd.s32 $0xFFFF9800  }
0x40: {  	[hbm4b:s19+s6] =	stream.strided.scatter [tilespmem:s5], [sflag:$0x2], $0x6800, s8, s6, $0x38;
	[tilespmem:$0x1C428] =	vst v63  }
0x41: {  	_ =	swait.ge [sflag:s4], $0x6800  }
0x42: {  	[sflag:s4] =	ssyncset.done $0x0  }
0x43: {  	[sflag:s4] =	ssyncadd.s32 $0xFFFF9800  }
0x44: {  	[bflag:$0x0] =	sbarrier.arrive $0xFFFF  }
0x45: {  	[spmem:s10@s26], [sflag:s29] =	dma.strided @!p0 [hbm:s18@s28], $0x1E850, s12, $0x10   }
0x46: {  	_ =	swait.ge @!p0 [sflag:s30], $0x1E850  }
0x47: {  	[sflag:s30] =	ssyncset.done @!p0 $0x0  }
0x48: {  	[sflag:s30] =	ssyncadd.s32 @!p0 $0xFFFE17B0  }
0x49: {  	[bflag:$0x0] =	sbarrier.arrive $0xFFFF  }
0x4a: {  	[tilespmem:s5], [sflag:$0x2] =	stream.indirect.gather [spmem:s1], $0x1, s2, s5, $0xb8;
	[tilespmem:$0x1C428] =	vst v63  }
0x4b: {  	_ =	swait.ge [sflag:s4], $0x6800  }
0x4c: {  	[sflag:s4] =	ssyncset.done $0x0  }
0x4d: {  	[sflag:s4] =	ssyncadd.s32 $0xFFFF9800  }
0x4e: {  	[hbm4b:s17+s6] =	stream.strided.scatter [tilespmem:s5], [sflag:$0x2], $0x6800, s8, s6, $0x38;
	[tilespmem:$0x1C428] =	vst v63  }
0x4f: {  	_ =	swait.ge [sflag:s4], $0x6800  }
0x50: {  	[sflag:s4] =	ssyncset.done $0x0  }
0x51: {  	[sflag:s4] =	ssyncadd.s32 $0xFFFF9800  }
0x52: {  	[bflag:$0x0] =	sbarrier.arrive $0xFFFF  }
0x53: {  	[spmem:s10@s26], [sflag:s29] =	dma.strided @!p0 [hbm:s16@s28], $0x1E850, s12, $0x10   }
0x54: {  	_ =	swait.ge @!p0 [sflag:s30], $0x1E850  }
0x55: {  	[sflag:s30] =	ssyncset.done @!p0 $0x0  }
0x56: {  	[sflag:s30] =	ssyncadd.s32 @!p0 $0xFFFE17B0  }
0x57: {  	[bflag:$0x0] =	sbarrier.arrive $0xFFFF  }
0x58: {  	[tilespmem:s5], [sflag:$0x2] =	stream.indirect.gather [spmem:s1], $0x1, s2, s5, $0xb8;
	[tilespmem:$0x1C428] =	vst v63  }
0x59: {  	_ =	swait.ge [sflag:s4], $0x6800  }
0x5a: {  	[sflag:s4] =	ssyncset.done $0x0  }
0x5b: {  	[sflag:s4] =	ssyncadd.s32 $0xFFFF9800  }
0x5c: {  	[hbm4b:s15+s6] =	stream.strided.scatter [tilespmem:s5], [sflag:$0x2], $0x6800, s8, s6, $0x38;
	[tilespmem:$0x1C428] =	vst v63  }
0x5d: {  	_ =	swait.ge [sflag:s4], $0x6800  }
0x5e: {  	[sflag:s4] =	ssyncset.done $0x0  }
0x5f: {  	[sflag:s4] =	ssyncadd.s32 $0xFFFF9800  }
0x60: {  	[bflag:$0x0] =	sbarrier.arrive $0xFFFF  }
0x61: {  	[spmem:s10@s26], [sflag:s29] =	dma.strided @!p0 [hbm:s14@s28], $0x1E850, s12, $0x10   }
0x62: {  	_ =	swait.ge @!p0 [sflag:s30], $0x1E850  }
0x63: {  	[sflag:s30] =	ssyncset.done @!p0 $0x0  }
0x64: {  	[sflag:s30] =	ssyncadd.s32 @!p0 $0xFFFE17B0  }
0x65: {  	[bflag:$0x0] =	sbarrier.arrive $0xFFFF  }
0x66: {  	[tilespmem:s5], [sflag:$0x2] =	stream.indirect.gather [spmem:s1], $0x1, s2, s5, $0xb8;
	[tilespmem:$0x1C428] =	vst v63  }
0x67: {  	_ =	swait.ge [sflag:s4], $0x6800  }
0x68: {  	[sflag:s4] =	ssyncset.done $0x0  }
0x69: {  	[sflag:s4] =	ssyncadd.s32 $0xFFFF9800  }
0x6a: {  	[hbm4b:s13+s6] =	stream.strided.scatter [tilespmem:s5], [sflag:$0x2], $0x6800, s8, s6, $0x38;
	[tilespmem:$0x1C428] =	vst v63  }
0x6b: {  	_ =	swait.ge [sflag:s4], $0x6800  }
0x6c: {  	[sflag:s4] =	ssyncset.done $0x0  }
0x6d: {  	[sflag:s4] =	ssyncadd.s32 $0xFFFF9800  }
0x6e: {  	[bflag:$0x0] =	sbarrier.arrive $0xFFFF  }
0x6f: {  	[spmem:s10@s26], [sflag:s29] =	dma.strided @!p0 [hbm:s11@s28], $0x1E850, s12, $0x10   }
0x70: {  	_ =	swait.ge @!p0 [sflag:s30], $0x1E850  }
0x71: {  	[sflag:s30] =	ssyncset.done @!p0 $0x0  }
0x72: {  	[sflag:s30] =	ssyncadd.s32 @!p0 $0xFFFE17B0  }
0x73: {  	[bflag:$0x0] =	sbarrier.arrive $0xFFFF  }
0x74: {  	[tilespmem:s5], [sflag:$0x2] =	stream.indirect.gather [spmem:s1], $0x1, s2, s5, $0xb8;
	[tilespmem:$0x1C428] =	vst v63  }
0x75: {  	_ =	swait.ge [sflag:s4], $0x6800  }
0x76: {  	[sflag:s4] =	ssyncset.done $0x0  }
0x77: {  	[sflag:s4] =	ssyncadd.s32 $0xFFFF9800  }
0x78: {  	[hbm4b:s9+s6] =	stream.strided.scatter [tilespmem:s5], [sflag:$0x2], $0x6800, s8, s6, $0x38;
	[tilespmem:$0x1C428] =	vst v63  }
0x79: {  	_ =	swait.ge [sflag:s4], $0x6800  }
0x7a: {  	[sflag:s4] =	ssyncset.done $0x0  }
0x7b: {  	[sflag:s4] =	ssyncadd.s32 $0xFFFF9800  }
0x7c: {  	[bflag:$0x0] =	sbarrier.arrive $0xFFFF  }
0x7d: {  	[spmem:s10@s26], [sflag:s29] =	dma.strided @!p0 [hbm:s7@s28], $0x1E850, s12, $0x10   }
0x7e: {  	_ =	swait.ge @!p0 [sflag:s30], $0x1E850  }
0x7f: {  	[sflag:s30] =	ssyncset.done @!p0 $0x0  }
0x80: {  	[sflag:s30] =	ssyncadd.s32 @!p0 $0xFFFE17B0  }
0x81: {  	[bflag:$0x0] =	sbarrier.arrive $0xFFFF  }
0x82: {  	[tilespmem:s5], [sflag:$0x2] =	stream.indirect.gather [spmem:s1], $0x1, s2, s5, $0xb8;
	[tilespmem:$0x1C428] =	vst v63  }
0x83: {  	s31 =	sadd.s32 $0xFFFFFFFF, s0;
	_ =	swait.ge [sflag:s4], $0x6800  }
0x84: {  	p2 =	sne.s32 s31, $0x0;
	[sflag:s4] =	ssyncset.done $0x0  }
.Ltmp1:
0x85: {  	[sflag:s4] =	ssyncadd.s32 $0xFFFF9800;
	(pc) =	sbr.rel @!p2 .LBB2_2-.Ltmp1, $4  }
0x86: {  	[hbm4b:s3+s6] =	stream.strided.scatter [tilespmem:s5], [sflag:$0x2], $0x6800, s8, s6, $0x38;
	[tilespmem:$0x1C428] =	vst v63  }
0x87: {  	_ =	swait.ge [sflag:s4], $0x6800  }
0x88: {  	[sflag:s4] =	ssyncset.done $0x0  }
0x89: {  	p1 =	por $0x1, $0x1;
	[sflag:s4] =	ssyncadd.s32 $0xFFFF9800  }
.LBB2_3:
0x8a: {  	[bflag:$0x0] =	sbarrier.arrive $0xFFFF;
	s0 =	simm.s32 @!p0 $0x1C01  }
0x8b: {  	[spmem:s10@s26], [sflag:s0] =	dma.strided @!p0 [hbm:s24@s28], $0x1E850, s12, $0x10   }
0x8c: {  	s25 =	rddreg [dreg:$0x5]  }
0x8d: {  	[tilespmem:s2], [sflag:$0x2] =	stream.linear.gather [hbm4b:s25+s2], $0x6800, $0x38;
	[tilespmem:$0x1C428] =	vst v63  }
0x8e: {  	_ =	swait.ge [sflag:s4], $0x6800  }
0x8f: {  	[sflag:s4] =	ssyncset.done $0x0  }
0x90: {  	[sflag:s4] =	ssyncadd.s32 $0xFFFF9800  }
0x91: {  	_ =	swait.ge @!p0 [sflag:s12], $0x1E850  }
0x92: {  	[sflag:s12] =	ssyncset.done @!p0 $0x0  }
0x93: {  	[sflag:s12] =	ssyncadd.s32 @!p0 $0xFFFE17B0  }
0x94: {  	[bflag:$0x0] =	sbarrier.arrive $0xFFFF  }
0x95: {  	[tilespmem:s5], [sflag:$0x2] =	stream.indirect.gather [spmem:s1], $0x1, s2, s5, $0xb8;
	[tilespmem:$0x1C428] =	vst v63  }
0x96: {  	_ =	swait.ge [sflag:s4], $0x6800  }
0x97: {  	[sflag:s4] =	ssyncset.done $0x0  }
0x98: {  	[sflag:s4] =	ssyncadd.s32 $0xFFFF9800  }
0x99: {  	[hbm4b:s23+s6] =	stream.strided.scatter [tilespmem:s5], [sflag:$0x2], $0x6800, s8, s6, $0x38;
	[tilespmem:$0x1C428] =	vst v63  }
0x9a: {  	_ =	swait.ge [sflag:s4], $0x6800  }
0x9b: {  	[sflag:s4] =	ssyncset.done $0x0  }
0x9c: {  	[sflag:s4] =	ssyncadd.s32 $0xFFFF9800  }
0x9d: {  	[bflag:$0x0] =	sbarrier.arrive $0xFFFF  }
0x9e: {  	[spmem:s10@s26], [sflag:s29] =	dma.strided @!p0 [hbm:s22@s28], $0x1E850, s12, $0x10   }
0x9f: {  	_ =	swait.ge @!p0 [sflag:s30], $0x1E850  }
0xa0: {  	[sflag:s30] =	ssyncset.done @!p0 $0x0  }
0xa1: {  	[sflag:s30] =	ssyncadd.s32 @!p0 $0xFFFE17B0  }
0xa2: {  	[bflag:$0x0] =	sbarrier.arrive $0xFFFF  }
0xa3: {  	[tilespmem:s5], [sflag:$0x2] =	stream.indirect.gather [spmem:s1], $0x1, s2, s5, $0xb8;
	[tilespmem:$0x1C428] =	vst v63  }
0xa4: {  	_ =	swait.ge [sflag:s4], $0x6800  }
0xa5: {  	[sflag:s4] =	ssyncset.done $0x0  }
0xa6: {  	[sflag:s4] =	ssyncadd.s32 $0xFFFF9800  }
0xa7: {  	[hbm4b:s21+s6] =	stream.strided.scatter [tilespmem:s5], [sflag:$0x2], $0x6800, s8, s6, $0x38;
	[tilespmem:$0x1C428] =	vst v63  }
0xa8: {  	_ =	swait.ge [sflag:s4], $0x6800  }
0xa9: {  	[sflag:s4] =	ssyncset.done $0x0  }
0xaa: {  	[sflag:s4] =	ssyncadd.s32 $0xFFFF9800  }
0xab: {  	[bflag:$0x0] =	sbarrier.arrive $0xFFFF  }
0xac: {  	[spmem:s10@s26], [sflag:s29] =	dma.strided @!p0 [hbm:s20@s28], $0x1E850, s12, $0x10   }
0xad: {  	_ =	swait.ge @!p0 [sflag:s30], $0x1E850  }
0xae: {  	[sflag:s30] =	ssyncset.done @!p0 $0x0  }
0xaf: {  	[sflag:s30] =	ssyncadd.s32 @!p0 $0xFFFE17B0  }
0xb0: {  	[bflag:$0x0] =	sbarrier.arrive $0xFFFF  }
0xb1: {  	[tilespmem:s5], [sflag:$0x2] =	stream.indirect.gather [spmem:s1], $0x1, s2, s5, $0xb8;
	[tilespmem:$0x1C428] =	vst v63  }
0xb2: {  	_ =	swait.ge [sflag:s4], $0x6800  }
0xb3: {  	[sflag:s4] =	ssyncset.done $0x0  }
0xb4: {  	[sflag:s4] =	ssyncadd.s32 $0xFFFF9800  }
0xb5: {  	[hbm4b:s19+s6] =	stream.strided.scatter [tilespmem:s5], [sflag:$0x2], $0x6800, s8, s6, $0x38;
	[tilespmem:$0x1C428] =	vst v63  }
0xb6: {  	_ =	swait.ge [sflag:s4], $0x6800  }
0xb7: {  	[sflag:s4] =	ssyncset.done $0x0  }
0xb8: {  	[sflag:s4] =	ssyncadd.s32 $0xFFFF9800  }
0xb9: {  	[bflag:$0x0] =	sbarrier.arrive $0xFFFF  }
0xba: {  	[spmem:s10@s26], [sflag:s29] =	dma.strided @!p0 [hbm:s18@s28], $0x1E850, s12, $0x10   }
0xbb: {  	_ =	swait.ge @!p0 [sflag:s30], $0x1E850  }
0xbc: {  	[sflag:s30] =	ssyncset.done @!p0 $0x0  }
0xbd: {  	[sflag:s30] =	ssyncadd.s32 @!p0 $0xFFFE17B0  }
0xbe: {  	[bflag:$0x0] =	sbarrier.arrive $0xFFFF  }
0xbf: {  	[tilespmem:s5], [sflag:$0x2] =	stream.indirect.gather [spmem:s1], $0x1, s2, s5, $0xb8;
	[tilespmem:$0x1C428] =	vst v63  }
0xc0: {  	_ =	swait.ge [sflag:s4], $0x6800  }
0xc1: {  	[sflag:s4] =	ssyncset.done $0x0  }
0xc2: {  	[sflag:s4] =	ssyncadd.s32 $0xFFFF9800  }
0xc3: {  	[hbm4b:s17+s6] =	stream.strided.scatter [tilespmem:s5], [sflag:$0x2], $0x6800, s8, s6, $0x38;
	[tilespmem:$0x1C428] =	vst v63  }
0xc4: {  	_ =	swait.ge [sflag:s4], $0x6800  }
0xc5: {  	[sflag:s4] =	ssyncset.done $0x0  }
0xc6: {  	[sflag:s4] =	ssyncadd.s32 $0xFFFF9800  }
0xc7: {  	[bflag:$0x0] =	sbarrier.arrive $0xFFFF  }
0xc8: {  	[spmem:s10@s26], [sflag:s29] =	dma.strided @!p0 [hbm:s16@s28], $0x1E850, s12, $0x10   }
0xc9: {  	_ =	swait.ge @!p0 [sflag:s30], $0x1E850  }
0xca: {  	[sflag:s30] =	ssyncset.done @!p0 $0x0  }
0xcb: {  	[sflag:s30] =	ssyncadd.s32 @!p0 $0xFFFE17B0  }
0xcc: {  	[bflag:$0x0] =	sbarrier.arrive $0xFFFF  }
0xcd: {  	[tilespmem:s5], [sflag:$0x2] =	stream.indirect.gather [spmem:s1], $0x1, s2, s5, $0xb8;
	[tilespmem:$0x1C428] =	vst v63  }
0xce: {  	_ =	swait.ge [sflag:s4], $0x6800  }
0xcf: {  	[sflag:s4] =	ssyncset.done $0x0  }
0xd0: {  	[sflag:s4] =	ssyncadd.s32 $0xFFFF9800  }
0xd1: {  	[hbm4b:s15+s6] =	stream.strided.scatter [tilespmem:s5], [sflag:$0x2], $0x6800, s8, s6, $0x38;
	[tilespmem:$0x1C428] =	vst v63  }
0xd2: {  	_ =	swait.ge [sflag:s4], $0x6800  }
0xd3: {  	[sflag:s4] =	ssyncset.done $0x0  }
0xd4: {  	[sflag:s4] =	ssyncadd.s32 $0xFFFF9800  }
0xd5: {  	[bflag:$0x0] =	sbarrier.arrive $0xFFFF  }
0xd6: {  	[spmem:s10@s26], [sflag:s29] =	dma.strided @!p0 [hbm:s14@s28], $0x1E850, s12, $0x10   }
0xd7: {  	_ =	swait.ge @!p0 [sflag:s30], $0x1E850  }
0xd8: {  	[sflag:s30] =	ssyncset.done @!p0 $0x0  }
0xd9: {  	[sflag:s30] =	ssyncadd.s32 @!p0 $0xFFFE17B0  }
0xda: {  	[bflag:$0x0] =	sbarrier.arrive $0xFFFF  }
0xdb: {  	[tilespmem:s5], [sflag:$0x2] =	stream.indirect.gather [spmem:s1], $0x1, s2, s5, $0xb8;
	[tilespmem:$0x1C428] =	vst v63  }
0xdc: {  	_ =	swait.ge [sflag:s4], $0x6800  }
0xdd: {  	[sflag:s4] =	ssyncset.done $0x0  }
0xde: {  	[sflag:s4] =	ssyncadd.s32 $0xFFFF9800  }
0xdf: {  	[hbm4b:s13+s6] =	stream.strided.scatter [tilespmem:s5], [sflag:$0x2], $0x6800, s8, s6, $0x38;
	[tilespmem:$0x1C428] =	vst v63  }
0xe0: {  	_ =	swait.ge [sflag:s4], $0x6800  }
0xe1: {  	[sflag:s4] =	ssyncset.done $0x0  }
0xe2: {  	[sflag:s4] =	ssyncadd.s32 $0xFFFF9800  }
0xe3: {  	[bflag:$0x0] =	sbarrier.arrive $0xFFFF  }
0xe4: {  	[spmem:s10@s26], [sflag:s29] =	dma.strided @!p0 [hbm:s11@s28], $0x1E850, s12, $0x10   }
0xe5: {  	_ =	swait.ge @!p0 [sflag:s30], $0x1E850  }
0xe6: {  	[sflag:s30] =	ssyncset.done @!p0 $0x0  }
0xe7: {  	[sflag:s30] =	ssyncadd.s32 @!p0 $0xFFFE17B0  }
0xe8: {  	[bflag:$0x0] =	sbarrier.arrive $0xFFFF  }
0xe9: {  	[tilespmem:s5], [sflag:$0x2] =	stream.indirect.gather [spmem:s1], $0x1, s2, s5, $0xb8;
	[tilespmem:$0x1C428] =	vst v63  }
0xea: {  	_ =	swait.ge [sflag:s4], $0x6800  }
0xeb: {  	[sflag:s4] =	ssyncset.done $0x0  }
0xec: {  	[sflag:s4] =	ssyncadd.s32 $0xFFFF9800  }
0xed: {  	[hbm4b:s9+s6] =	stream.strided.scatter [tilespmem:s5], [sflag:$0x2], $0x6800, s8, s6, $0x38;
	[tilespmem:$0x1C428] =	vst v63  }
0xee: {  	_ =	swait.ge [sflag:s4], $0x6800  }
0xef: {  	[sflag:s4] =	ssyncset.done $0x0  }
0xf0: {  	[sflag:s4] =	ssyncadd.s32 $0xFFFF9800  }
0xf1: {  	[bflag:$0x0] =	sbarrier.arrive $0xFFFF  }
0xf2: {  	[spmem:s10@s26], [sflag:s29] =	dma.strided @!p0 [hbm:s7@s28], $0x1E850, s12, $0x10   }
0xf3: {  	_ =	swait.ge @!p0 [sflag:s30], $0x1E850  }
0xf4: {  	[sflag:s30] =	ssyncset.done @!p0 $0x0  }
0xf5: {  	[sflag:s30] =	ssyncadd.s32 @!p0 $0xFFFE17B0  }
0xf6: {  	[bflag:$0x0] =	sbarrier.arrive $0xFFFF  }
0xf7: {  	[tilespmem:s5], [sflag:$0x2] =	stream.indirect.gather [spmem:s1], $0x1, s2, s5, $0xb8;
	[tilespmem:$0x1C428] =	vst v63  }
0xf8: {  	s31 =	sadd.s32 $0xFFFFFFFF, s31;
	_ =	swait.ge [sflag:s4], $0x6800  }
0xf9: {  	p2 =	sne.s32 s31, $0x0;
	[sflag:s4] =	ssyncset.done $0x0  }
.Ltmp2:
0xfa: {  	[sflag:s4] =	ssyncadd.s32 $0xFFFF9800;
	(pc) =	sbr.rel @p2 .LBB2_3-.Ltmp2, $4  }
0xfb: {  	[hbm4b:s3+s6] =	stream.strided.scatter [tilespmem:s5], [sflag:$0x2], $0x6800, s8, s6, $0x38;
	[tilespmem:$0x1C428] =	vst v63  }
0xfc: {  	_ =	swait.ge [sflag:s4], $0x6800  }
0xfd: {  	s0 =	simm.s32 @!p0 $0x1;
	[sflag:s4] =	ssyncset.done $0x0  }
0xfe: {  	s12 =	smov.u32 s0;
	[sflag:s4] =	ssyncadd.s32 $0xFFFF9800  }
0xff: {  	s25 =	rddreg [dreg:$0x4];
	s29 =	simm.s32 @!p0 $0x1C01  }
.LBB2_5:
0x100: {  	[bflag:$0x0] =	sbarrier.arrive @p1 $0xFFFF;
	s0 =	simm.s32 @!p0 $0x10;
	s26 =	simm.s32 @!p0 $0x80  }
0x101: {  	[spmem:s10@s0], [sflag:s29] =	dma.strided @!p0 [hbm:s24@s26], $0x1E850, s12, $0x10   }
0x102: {  	s24 =	rddreg [dreg:$0x5]  }
0x103: {  	[tilespmem:s2], [sflag:$0x2] =	stream.linear.gather [hbm4b:s24+s2], $0x6800, $0x38;
	[tilespmem:$0x1C428] =	vst v63  }
0x104: {  	_ =	swait.ge [sflag:s4], $0x6800  }
0x105: {  	[sflag:s4] =	ssyncset.done $0x0  }
0x106: {  	[sflag:s4] =	ssyncadd.s32 $0xFFFF9800  }
0x107: {  	_ =	swait.ge @!p0 [sflag:s12], $0x1E850  }
0x108: {  	[sflag:s12] =	ssyncset.done @!p0 $0x0  }
0x109: {  	[sflag:s12] =	ssyncadd.s32 @!p0 $0xFFFE17B0  }
0x10a: {  	[bflag:$0x0] =	sbarrier.arrive $0xFFFF  }
0x10b: {  	[tilespmem:s5], [sflag:$0x2] =	stream.indirect.gather [spmem:s1], $0x1, s2, s5, $0xb8;
	[tilespmem:$0x1C428] =	vst v63  }
0x10c: {  	_ =	swait.ge [sflag:s4], $0x6800  }
0x10d: {  	[sflag:s4] =	ssyncset.done $0x0  }
0x10e: {  	[sflag:s4] =	ssyncadd.s32 $0xFFFF9800  }
0x10f: {  	[hbm4b:s23+s6] =	stream.strided.scatter [tilespmem:s5], [sflag:$0x2], $0x6800, s8, s6, $0x38;
	[tilespmem:$0x1C428] =	vst v63  }
0x110: {  	_ =	swait.ge [sflag:s4], $0x6800  }
0x111: {  	[sflag:s4] =	ssyncset.done $0x0  }
0x112: {  	[sflag:s4] =	ssyncadd.s32 $0xFFFF9800  }
0x113: {  	s23 =	simm.s32 @!p0 $0x1C02;
	[bflag:$0x0] =	sbarrier.arrive $0xFFFF  }
0x114: {  	[spmem:s10@s0], [sflag:s23] =	dma.strided @!p0 [hbm:s22@s26], $0x1E850, s12, $0x10   }
0x115: {  	s22 =	simm.s32 @!p0 $0x2  }
0x116: {  	_ =	swait.ge @!p0 [sflag:s22], $0x1E850  }
0x117: {  	[sflag:s22] =	ssyncset.done @!p0 $0x0  }
0x118: {  	[sflag:s22] =	ssyncadd.s32 @!p0 $0xFFFE17B0  }
0x119: {  	[bflag:$0x0] =	sbarrier.arrive $0xFFFF  }
0x11a: {  	[tilespmem:s5], [sflag:$0x2] =	stream.indirect.gather [spmem:s1], $0x1, s2, s5, $0xb8;
	[tilespmem:$0x1C428] =	vst v63  }
0x11b: {  	_ =	swait.ge [sflag:s4], $0x6800  }
0x11c: {  	[sflag:s4] =	ssyncset.done $0x0  }
0x11d: {  	[sflag:s4] =	ssyncadd.s32 $0xFFFF9800  }
0x11e: {  	[hbm4b:s21+s6] =	stream.strided.scatter [tilespmem:s5], [sflag:$0x2], $0x6800, s8, s6, $0x38;
	[tilespmem:$0x1C428] =	vst v63  }
0x11f: {  	_ =	swait.ge [sflag:s4], $0x6800  }
0x120: {  	[sflag:s4] =	ssyncset.done $0x0  }
0x121: {  	[sflag:s4] =	ssyncadd.s32 $0xFFFF9800  }
0x122: {  	[bflag:$0x0] =	sbarrier.arrive $0xFFFF  }
0x123: {  	[spmem:s10@s0], [sflag:s23] =	dma.strided @!p0 [hbm:s20@s26], $0x1E850, s12, $0x10   }
0x124: {  	_ =	swait.ge @!p0 [sflag:s22], $0x1E850  }
0x125: {  	[sflag:s22] =	ssyncset.done @!p0 $0x0  }
0x126: {  	[sflag:s22] =	ssyncadd.s32 @!p0 $0xFFFE17B0  }
0x127: {  	[bflag:$0x0] =	sbarrier.arrive $0xFFFF  }
0x128: {  	[tilespmem:s5], [sflag:$0x2] =	stream.indirect.gather [spmem:s1], $0x1, s2, s5, $0xb8;
	[tilespmem:$0x1C428] =	vst v63  }
0x129: {  	_ =	swait.ge [sflag:s4], $0x6800  }
0x12a: {  	[sflag:s4] =	ssyncset.done $0x0  }
0x12b: {  	[sflag:s4] =	ssyncadd.s32 $0xFFFF9800  }
0x12c: {  	[hbm4b:s19+s6] =	stream.strided.scatter [tilespmem:s5], [sflag:$0x2], $0x6800, s8, s6, $0x38;
	[tilespmem:$0x1C428] =	vst v63  }
0x12d: {  	_ =	swait.ge [sflag:s4], $0x6800  }
0x12e: {  	[sflag:s4] =	ssyncset.done $0x0  }
0x12f: {  	[sflag:s4] =	ssyncadd.s32 $0xFFFF9800  }
0x130: {  	[bflag:$0x0] =	sbarrier.arrive $0xFFFF  }
0x131: {  	[spmem:s10@s0], [sflag:s23] =	dma.strided @!p0 [hbm:s18@s26], $0x1E850, s12, $0x10   }
0x132: {  	_ =	swait.ge @!p0 [sflag:s22], $0x1E850  }
0x133: {  	[sflag:s22] =	ssyncset.done @!p0 $0x0  }
0x134: {  	[sflag:s22] =	ssyncadd.s32 @!p0 $0xFFFE17B0  }
0x135: {  	[bflag:$0x0] =	sbarrier.arrive $0xFFFF  }
0x136: {  	[tilespmem:s5], [sflag:$0x2] =	stream.indirect.gather [spmem:s1], $0x1, s2, s5, $0xb8;
	[tilespmem:$0x1C428] =	vst v63  }
0x137: {  	_ =	swait.ge [sflag:s4], $0x6800  }
0x138: {  	[sflag:s4] =	ssyncset.done $0x0  }
0x139: {  	[sflag:s4] =	ssyncadd.s32 $0xFFFF9800  }
0x13a: {  	[hbm4b:s17+s6] =	stream.strided.scatter [tilespmem:s5], [sflag:$0x2], $0x6800, s8, s6, $0x38;
	[tilespmem:$0x1C428] =	vst v63  }
0x13b: {  	_ =	swait.ge [sflag:s4], $0x6800  }
0x13c: {  	[sflag:s4] =	ssyncset.done $0x0  }
0x13d: {  	[sflag:s4] =	ssyncadd.s32 $0xFFFF9800  }
0x13e: {  	[bflag:$0x0] =	sbarrier.arrive $0xFFFF  }
0x13f: {  	[spmem:s10@s0], [sflag:s23] =	dma.strided @!p0 [hbm:s16@s26], $0x1E850, s12, $0x10   }
0x140: {  	_ =	swait.ge @!p0 [sflag:s22], $0x1E850  }
0x141: {  	[sflag:s22] =	ssyncset.done @!p0 $0x0  }
0x142: {  	[sflag:s22] =	ssyncadd.s32 @!p0 $0xFFFE17B0  }
0x143: {  	[bflag:$0x0] =	sbarrier.arrive $0xFFFF  }
0x144: {  	[tilespmem:s5], [sflag:$0x2] =	stream.indirect.gather [spmem:s1], $0x1, s2, s5, $0xb8;
	[tilespmem:$0x1C428] =	vst v63  }
0x145: {  	_ =	swait.ge [sflag:s4], $0x6800  }
0x146: {  	[sflag:s4] =	ssyncset.done $0x0  }
0x147: {  	[sflag:s4] =	ssyncadd.s32 $0xFFFF9800  }
0x148: {  	[hbm4b:s15+s6] =	stream.strided.scatter [tilespmem:s5], [sflag:$0x2], $0x6800, s8, s6, $0x38;
	[tilespmem:$0x1C428] =	vst v63  }
0x149: {  	_ =	swait.ge [sflag:s4], $0x6800  }
0x14a: {  	[sflag:s4] =	ssyncset.done $0x0  }
0x14b: {  	[sflag:s4] =	ssyncadd.s32 $0xFFFF9800  }
0x14c: {  	[bflag:$0x0] =	sbarrier.arrive $0xFFFF  }
0x14d: {  	[spmem:s10@s0], [sflag:s23] =	dma.strided @!p0 [hbm:s14@s26], $0x1E850, s12, $0x10   }
0x14e: {  	_ =	swait.ge @!p0 [sflag:s22], $0x1E850  }
0x14f: {  	[sflag:s22] =	ssyncset.done @!p0 $0x0  }
0x150: {  	[sflag:s22] =	ssyncadd.s32 @!p0 $0xFFFE17B0  }
0x151: {  	[bflag:$0x0] =	sbarrier.arrive $0xFFFF  }
0x152: {  	[tilespmem:s5], [sflag:$0x2] =	stream.indirect.gather [spmem:s1], $0x1, s2, s5, $0xb8;
	[tilespmem:$0x1C428] =	vst v63  }
0x153: {  	_ =	swait.ge [sflag:s4], $0x6800  }
0x154: {  	[sflag:s4] =	ssyncset.done $0x0  }
0x155: {  	[sflag:s4] =	ssyncadd.s32 $0xFFFF9800  }
0x156: {  	[hbm4b:s13+s6] =	stream.strided.scatter [tilespmem:s5], [sflag:$0x2], $0x6800, s8, s6, $0x38;
	[tilespmem:$0x1C428] =	vst v63  }
0x157: {  	_ =	swait.ge [sflag:s4], $0x6800  }
0x158: {  	[sflag:s4] =	ssyncset.done $0x0  }
0x159: {  	[sflag:s4] =	ssyncadd.s32 $0xFFFF9800  }
0x15a: {  	[bflag:$0x0] =	sbarrier.arrive $0xFFFF  }
0x15b: {  	[spmem:s10@s0], [sflag:s23] =	dma.strided @!p0 [hbm:s11@s26], $0x1E850, s12, $0x10   }
0x15c: {  	_ =	swait.ge @!p0 [sflag:s22], $0x1E850  }
0x15d: {  	[sflag:s22] =	ssyncset.done @!p0 $0x0  }
0x15e: {  	[sflag:s22] =	ssyncadd.s32 @!p0 $0xFFFE17B0  }
0x15f: {  	[bflag:$0x0] =	sbarrier.arrive $0xFFFF  }
0x160: {  	[tilespmem:s5], [sflag:$0x2] =	stream.indirect.gather [spmem:s1], $0x1, s2, s5, $0xb8;
	[tilespmem:$0x1C428] =	vst v63  }
0x161: {  	_ =	swait.ge [sflag:s4], $0x6800  }
0x162: {  	[sflag:s4] =	ssyncset.done $0x0  }
0x163: {  	[sflag:s4] =	ssyncadd.s32 $0xFFFF9800  }
0x164: {  	[hbm4b:s9+s6] =	stream.strided.scatter [tilespmem:s5], [sflag:$0x2], $0x6800, s8, s6, $0x38;
	[tilespmem:$0x1C428] =	vst v63  }
0x165: {  	_ =	swait.ge [sflag:s4], $0x6800  }
0x166: {  	[sflag:s4] =	ssyncset.done $0x0  }
0x167: {  	[sflag:s4] =	ssyncadd.s32 $0xFFFF9800  }
0x168: {  	[bflag:$0x0] =	sbarrier.arrive $0xFFFF  }
0x169: {  	[spmem:s10@s0], [sflag:s23] =	dma.strided @!p0 [hbm:s7@s26], $0x1E850, s12, $0x10   }
0x16a: {  	_ =	swait.ge @!p0 [sflag:s22], $0x1E850  }
0x16b: {  	[sflag:s22] =	ssyncset.done @!p0 $0x0  }
0x16c: {  	[sflag:s22] =	ssyncadd.s32 @!p0 $0xFFFE17B0  }
0x16d: {  	[bflag:$0x0] =	sbarrier.arrive $0xFFFF  }
0x16e: {  	[tilespmem:s5], [sflag:$0x2] =	stream.indirect.gather [spmem:s1], $0x1, s2, s5, $0xb8;
	[tilespmem:$0x1C428] =	vst v63  }
0x16f: {  	_ =	swait.ge [sflag:s4], $0x6800  }
0x170: {  	[sflag:s4] =	ssyncset.done $0x0  }
0x171: {  	[sflag:s4] =	ssyncadd.s32 $0xFFFF9800  }
0x172: {  	[hbm4b:s3+s6] =	stream.strided.scatter [tilespmem:s5], [sflag:$0x2], $0x6800, s8, s6, $0x38;
	[tilespmem:$0x1C428] =	vst v63  }
0x173: {  	_ =	swait.ge [sflag:s4], $0x6800  }
0x174: {  	[sflag:s4] =	ssyncset.done $0x0  }
0x175: {  	[sflag:s4] =	ssyncadd.s32 $0xFFFF9800  }
0x176: {  	[bflag:$0x0] =	sbarrier.arrive $0xFFFF  }
0x177: {  	_ =	sfence.sel $0x180000  }
0x178: {  	[bflag:$0x0] =	sbarrier.arrive $0xFFFF  }
0x179: {  	_ =	strace $0x90000047  }
0x17a: {  	s0 =	sadd.s32 @!p0 $0x100000, s25;
	[bflag:$0x2] =	sbarrier.arrive $0xFFFF  }
0x17b: {  	[sflag:s0] =	ssyncadd.tile.s32 @!p0 $0x1;
	_ =	shalt  }
.LBB2_2:
.Ltmp3:
0x17c: {  	(pc) =	sbr.rel .LBB2_5-.Ltmp3, $2  }
0x17d: {  	_ =	sdelay $0x2  }
0x17e: {  	s25 =	rddreg [dreg:$0x4];
	s29 =	simm.s32 @!p0 $0x1C01  }
.Lfunc_end2:
_tile_overlayer_lowered:
.L_overlay_start_2:
0x17f: {  	(tag) =	ssettag $0x2  }
0x180: {  	s0 =	rddreg [dreg:$0x0];
	s2 =	stileid.u32  }
0x181: {  	s1 =	rddreg [dreg:$0x1];
	p0 =	sne.s32 s2, $0x0  }
0x182: {  	s3 =	rddreg [dreg:$0x2];
	[bflag:$0x3] =	sbarrier.arrive $0xFFFF;
	s2 =	simm.s32 @!p0 $0x1C02  }
0x183: {  	[timem:s3], [sflag:s2] =	dma.local @!p0 [hbm:s0], s1  }
0x184: {  	s0 =	simm.s32 @!p0 $0x2  }
0x185: {  	_ =	swait.ge @!p0 [sflag:s0], s1  }
0x186: {  	s1 =	ssub.s32 @!p0 $0x0, s1;
	[sflag:s0] =	ssyncset.done @!p0 $0x0  }
0x187: {  	[sflag:s0] =	ssyncadd.s32 @!p0 s1  }
0x188: {  	[bflag:$0x3] =	sbarrier.arrive $0xFFFF  }
0x189: {  	_ =	shalt  }

</sc_bundles>
